<compile_context>
chip_gen: v7x
topology: tpu7x:2x2x1
jax: 0.10.2.dev20260603
libtpu: 0.0.44.dev20260713+nightly
codegen_flags: <defaults>
</compile_context>

<pallas_src>
import functools

import jax
import jax.numpy as jnp
from jax import lax
from jax.experimental import pallas as pl
from jax.experimental.pallas import tpu as pltpu
from jax.experimental.pallas import tpu_sc as plsc

VOCAB = 100
PCOLS = VOCAB // 2
NC, NS = 2, 16
NW = NC * NS
LANES = 16
UNROLL = 1


def _m_body(t_ref, wt_ref, b_ref, m_ref):
    m_ref[...] = (t_ref[:, 0:1] * wt_ref[0:1, :]
                  + t_ref[:, 1:2] * wt_ref[1:2, :]
                  + b_ref[...])


def _compute_m(table, W, b):
    return pl.pallas_call(
        _m_body,
        out_shape=jax.ShapeDtypeStruct((VOCAB, VOCAB), jnp.float32),
    )(table, W.T, b[None, :])


def _make_gather(bsz, seq):
    per_w = bsz // NW
    mesh = plsc.VectorSubcoreMesh(core_axis_name="c", subcore_axis_name="s")

    @functools.partial(
        pl.kernel,
        out_type=jax.ShapeDtypeStruct((bsz, seq, VOCAB), jnp.int32),
        scratch_types=[
            pltpu.VMEM((VOCAB, VOCAB), jnp.int32),
            pltpu.VMEM((seq,), jnp.int32),
            pltpu.VMEM((seq,), jnp.int32),
            pltpu.VMEM((seq, VOCAB), jnp.int32),
            pltpu.VMEM((seq, VOCAB), jnp.int32),
            pltpu.SemaphoreType.DMA,
            pltpu.SemaphoreType.DMA,
            pltpu.SemaphoreType.DMA,
            pltpu.SemaphoreType.DMA,
        ],
        mesh=mesh,
        compiler_params=pltpu.CompilerParams(needs_layout_passes=False),
    )
    def gather(m_hbm, idx_hbm, out_hbm, m_v, idx_v0, idx_v1, out_v0,
               out_v1, sem0, sem1, semi0, semi1):
        wid = lax.axis_index("s") * NC + lax.axis_index("c")
        pltpu.sync_copy(m_hbm, m_v)
        lane = lax.iota(jnp.int32, LANES)
        offs = [g * LANES for g in range(seq // LANES)]
        if seq % LANES:
            offs.append(seq - LANES)

        def fill(idx_v, out_v):
            xvs = [idx_v[pl.ds(off, LANES)] for off in offs]
            rowss = [lane + off for off in offs]

            @plsc.parallel_loop(0, VOCAB, 1, unroll=UNROLL)
            def col(c):
                cs = lane + c
                cs = jnp.where(cs >= VOCAB, cs - VOCAB, cs)
                for xv, rows in zip(xvs, rowss):
                    g = plsc.load_gather(m_v, [xv, cs])
                    plsc.store_scatter(out_v, [rows, cs], g)

        base = wid * per_w
        last = base + per_w - 1

        pltpu.async_copy(idx_hbm.at[pl.ds(base * seq, seq)], idx_v0, semi0)

        def body(i2, carry):
            b0 = base + 2 * i2
            b1 = b0 + 1
            b2 = jnp.minimum(b0 + 2, last)
            pltpu.make_async_copy(
                idx_hbm.at[pl.ds(b0 * seq, seq)], idx_v0, semi0).wait()
            pltpu.async_copy(idx_hbm.at[pl.ds(b1 * seq, seq)], idx_v1, semi1)

            @pl.when(i2 > 0)
            def _():
                pltpu.make_async_copy(out_v0, out_hbm.at[b0], sem0).wait()

            fill(idx_v0, out_v0)
            pltpu.async_copy(out_v0, out_hbm.at[b0], sem0)
            pltpu.make_async_copy(
                idx_hbm.at[pl.ds(b1 * seq, seq)], idx_v1, semi1).wait()
            pltpu.async_copy(idx_hbm.at[pl.ds(b2 * seq, seq)], idx_v0, semi0)

            @pl.when(i2 > 0)
            def _():
                pltpu.make_async_copy(out_v1, out_hbm.at[b1], sem1).wait()

            fill(idx_v1, out_v1)
            pltpu.async_copy(out_v1, out_hbm.at[b1], sem1)
            return carry

        lax.fori_loop(0, per_w // 2, body, 0)
        pltpu.make_async_copy(out_v0, out_hbm.at[last - 1], sem0).wait()
        pltpu.make_async_copy(out_v1, out_hbm.at[last], sem1).wait()
        pltpu.make_async_copy(
            idx_hbm.at[pl.ds(last * seq, seq)], idx_v0, semi0).wait()

    return gather


def kernel(x, table, W, b):
    bsz, seq = x.shape
    m = _compute_m(table, W, b)
    mi = lax.bitcast_convert_type(m, jnp.int32)
    raw = _make_gather(bsz, seq)(mi, x.reshape(-1))
    return lax.bitcast_convert_type(raw, jnp.float32)

# --- scband reference (transcript-rebuilt; emitter-appended) ---
"""Pipeline reference for scband-property-preserving-network-19404662243769 (READ-ONLY COPY).

The authoritative reference and input builder live on the scoring server;
editing this copy changes nothing except your own understanding.
"""

import jax, jax.numpy as jnp
import numpy as np

NUM_EMBEDDINGS = 100
HIDDEN_SIZE = 2


def setup_inputs(seed: int = 0) -> dict:
    key = jax.random.key(seed)
    k1, k2, k3, k4 = jax.random.split(key, 4)
    x = jax.random.randint(k1, (4096, 200), 0, NUM_EMBEDDINGS, dtype=jnp.int32)
    table = jax.random.normal(k2, (NUM_EMBEDDINGS, HIDDEN_SIZE), dtype=jnp.float32)
    W = jax.random.normal(k3, (NUM_EMBEDDINGS, HIDDEN_SIZE), dtype=jnp.float32) * 0.1
    b = jax.random.normal(k4, (NUM_EMBEDDINGS,), dtype=jnp.float32) * 0.01
    return {"x": x, "table": table, "W": W, "b": b}


def reference(x, table, W, b):
    # embedding lookup: gather rows of the table
    emb = jnp.take(table, x, axis=0)              # [B, L, hidden]
    # linear projection back to vocab
    out = emb @ W.T + b                            # [B, L, num_embeddings]
    return out

if __name__ == "__main__":
    import jax
    _d = setup_inputs()
    print(jax.jit(kernel)(*tuple(_d.values())))

</pallas_src>

<mosaic_0001>
#map = affine_map<(d0, d1) -> (0, 0)>
#map1 = affine_map<(d0, d1) -> (0)>
#map2 = affine_map<(d0, d1) -> (0, 0, 0)>
module attributes {stable_mosaic.version = 14 : i64} {
  func.func @gather(%arg0: i32, %arg1: i32, %arg2: memref<100x100xi32, #tpu.memory_space<hbm>>, %arg3: memref<819200xi32, #tpu.memory_space<hbm>>, %arg4: memref<4096x200x100xi32, #tpu.memory_space<hbm>>, %arg5: memref<100x100xi32, #tpu.memory_space<vmem>>, %arg6: memref<200xi32, #tpu.memory_space<vmem>>, %arg7: memref<200xi32, #tpu.memory_space<vmem>>, %arg8: memref<200x100xi32, #tpu.memory_space<vmem>>, %arg9: memref<200x100xi32, #tpu.memory_space<vmem>>, %arg10: memref<!tpu.dma_semaphore, #tpu.memory_space<semaphore_mem>>, %arg11: memref<!tpu.dma_semaphore, #tpu.memory_space<semaphore_mem>>, %arg12: memref<!tpu.dma_semaphore, #tpu.memory_space<semaphore_mem>>, %arg13: memref<!tpu.dma_semaphore, #tpu.memory_space<semaphore_mem>>) attributes {dimension_semantics = [#tpu.dimension_semantics<core_parallel>, #tpu.dimension_semantics<subcore_parallel>], iteration_bounds = array<i64: 2, 16>, scalar_prefetch = 0 : i64, scratch_operands = 9 : i64, tpu.core_type = #tpu.core_type<sc_vector_subcore>, window_params = [{transform_indices = #map}, {transform_indices = #map1}, {transform_indices = #map2}]} {
    %mul3A = arith.constant 2 : i32
    %mul3A_0 = arith.muli %arg1, %mul3A : i32
    %add3A = arith.addi %mul3A_0, %arg0 : i32
    "tpu.region"() ({
      %run_scoped3A = tpu.sem_alloc : memref<!tpu.dma_semaphore, #tpu.memory_space<semaphore_mem>>
      tpu.enqueue_dma source(%arg2 : memref<100x100xi32, #tpu.memory_space<hbm>>) target(%arg5 : memref<100x100xi32, #tpu.memory_space<vmem>>) target_semaphore(%run_scoped3A : memref<!tpu.dma_semaphore, #tpu.memory_space<semaphore_mem>>)
      tpu.wait_dma2 semaphore(%run_scoped3A : memref<!tpu.dma_semaphore, #tpu.memory_space<semaphore_mem>>) src(%arg2 : memref<100x100xi32, #tpu.memory_space<hbm>>) dst(%arg5 : memref<100x100xi32, #tpu.memory_space<vmem>>)
      tpu.yield
    }) : () -> ()
    %iota3A = tpu.iota {dimensions = array<i32: 0>} : vector<16xi32>
    %mul3A_1 = arith.constant 128 : i32
    %mul3A_2 = arith.muli %add3A, %mul3A_1 : i32
    %add3A_3 = arith.constant 128 : i32
    %add3A_4 = arith.addi %mul3A_2, %add3A_3 : i32
    %sub3A = arith.constant 1 : i32
    %sub3A_5 = arith.subi %add3A_4, %sub3A : i32
    %mul3A_6 = arith.constant 200 : i32
    %mul3A_7 = arith.muli %mul3A_2, %mul3A_6 : i32
    %dma_start3A = tpu.memref_slice %arg3[%mul3A_7] : memref<819200xi32, #tpu.memory_space<hbm>> -> memref<200xi32, #tpu.memory_space<hbm>>
    %dma_start3A_8 = tpu.memref_slice %arg3[%mul3A_7] : memref<819200xi32, #tpu.memory_space<hbm>> -> memref<200xi32, #tpu.memory_space<hbm>>
    tpu.enqueue_dma source(%dma_start3A_8 : memref<200xi32, #tpu.memory_space<hbm>>) target(%arg6 : memref<200xi32, #tpu.memory_space<vmem>>) target_semaphore(%arg12 : memref<!tpu.dma_semaphore, #tpu.memory_space<semaphore_mem>>)
    %scan3A = arith.constant 0 : i32
    %scan3A_9 = arith.constant 0 : i32
    %scan3A_10 = arith.constant 64 : i32
    %scan3A_11 = arith.addi %scan3A_9, %scan3A_10 : i32
    %scan3A_12 = arith.constant 1 : i32
    scf.for %scan3A_35 = %scan3A_9 to %scan3A_11 step %scan3A_12  : i32 {
      %mul3A_36 = arith.constant 2 : i32
      %mul3A_37 = arith.muli %mul3A_36, %scan3A_35 : i32
      %add3A_38 = arith.addi %mul3A_2, %mul3A_37 : i32
      %add3A_39 = arith.constant 1 : i32
      %add3A_40 = arith.addi %add3A_38, %add3A_39 : i32
      %add3A_41 = arith.constant 2 : i32
      %add3A_42 = arith.addi %add3A_38, %add3A_41 : i32
      %min3A = arith.minsi %add3A_42, %sub3A_5 : i32
      %mul3A_43 = arith.constant 200 : i32
      %mul3A_44 = arith.muli %add3A_38, %mul3A_43 : i32
      %dma_wait3A_45 = tpu.memref_slice %arg3[%mul3A_44] : memref<819200xi32, #tpu.memory_space<hbm>> -> memref<200xi32, #tpu.memory_space<hbm>>
      %dma_wait3A_46 = tpu.memref_slice %arg3[%mul3A_44] : memref<819200xi32, #tpu.memory_space<hbm>> -> memref<200xi32, #tpu.memory_space<hbm>>
      tpu.wait_dma2 semaphore(%arg12 : memref<!tpu.dma_semaphore, #tpu.memory_space<semaphore_mem>>) src(%dma_wait3A_46 : memref<200xi32, #tpu.memory_space<hbm>>) dst(%arg6 : memref<200xi32, #tpu.memory_space<vmem>>)
      %mul3A_47 = arith.constant 200 : i32
      %mul3A_48 = arith.muli %add3A_40, %mul3A_47 : i32
      %dma_start3A_49 = tpu.memref_slice %arg3[%mul3A_48] : memref<819200xi32, #tpu.memory_space<hbm>> -> memref<200xi32, #tpu.memory_space<hbm>>
      %dma_start3A_50 = tpu.memref_slice %arg3[%mul3A_48] : memref<819200xi32, #tpu.memory_space<hbm>> -> memref<200xi32, #tpu.memory_space<hbm>>
      tpu.enqueue_dma source(%dma_start3A_50 : memref<200xi32, #tpu.memory_space<hbm>>) target(%arg7 : memref<200xi32, #tpu.memory_space<vmem>>) target_semaphore(%arg13 : memref<!tpu.dma_semaphore, #tpu.memory_space<semaphore_mem>>)
      %gt3A = arith.constant 0 : i32
      %gt3A_51 = arith.cmpi sgt, %scan3A_35, %gt3A : i32
      %convert_element_type3A = arith.extui %gt3A_51 : i1 to i32
      %cond3A = arith.constant 0 : i32
      %cond3A_52 = arith.cmpi ne, %convert_element_type3A, %cond3A : i32
      scf.if %cond3A_52 {
        %dma_wait3A_216 = arith.constant 0 : i32
        %dma_wait3A_217 = arith.constant 0 : i32
        %dma_wait3A_218 = tpu.memref_slice %arg4[%add3A_38, %dma_wait3A_216, %dma_wait3A_217] : memref<4096x200x100xi32, #tpu.memory_space<hbm>> -> memref<1x200x100xi32, #tpu.memory_space<hbm>>
        %dma_wait3A_219 = tpu.memref_squeeze %dma_wait3A_218 : memref<1x200x100xi32, #tpu.memory_space<hbm>> -> memref<200x100xi32, #tpu.memory_space<hbm>>
        %dma_wait3A_220 = arith.constant 0 : i32
        %dma_wait3A_221 = arith.constant 0 : i32
        %dma_wait3A_222 = tpu.memref_slice %arg4[%add3A_38, %dma_wait3A_220, %dma_wait3A_221] : memref<4096x200x100xi32, #tpu.memory_space<hbm>> -> memref<1x200x100xi32, #tpu.memory_space<hbm>>
        %dma_wait3A_223 = tpu.memref_squeeze %dma_wait3A_222 : memref<1x200x100xi32, #tpu.memory_space<hbm>> -> memref<200x100xi32, #tpu.memory_space<hbm>>
        tpu.wait_dma2 semaphore(%arg10 : memref<!tpu.dma_semaphore, #tpu.memory_space<semaphore_mem>>) src(%arg8 : memref<200x100xi32, #tpu.memory_space<vmem>>) dst(%dma_wait3A_223 : memref<200x100xi32, #tpu.memory_space<hbm>>)
      } else {
      }
      %get3A = arith.constant 0 : index
      %get3A_53 = tpu.vector_load %arg6[%get3A] {strides = array<i32>} : memref<200xi32, #tpu.memory_space<vmem>>, vector<16xi32>,
      %get3A_54 = arith.constant 16 : index
      %get3A_55 = tpu.vector_load %arg6[%get3A_54] {strides = array<i32>} : memref<200xi32, #tpu.memory_space<vmem>>, vector<16xi32>,
      %get3A_56 = arith.constant 32 : index
      %get3A_57 = tpu.vector_load %arg6[%get3A_56] {strides = array<i32>} : memref<200xi32, #tpu.memory_space<vmem>>, vector<16xi32>,
      %get3A_58 = arith.constant 48 : index
      %get3A_59 = tpu.vector_load %arg6[%get3A_58] {strides = array<i32>} : memref<200xi32, #tpu.memory_space<vmem>>, vector<16xi32>,
      %get3A_60 = arith.constant 64 : index
      %get3A_61 = tpu.vector_load %arg6[%get3A_60] {strides = array<i32>} : memref<200xi32, #tpu.memory_space<vmem>>, vector<16xi32>,
      %get3A_62 = arith.constant 80 : index
      %get3A_63 = tpu.vector_load %arg6[%get3A_62] {strides = array<i32>} : memref<200xi32, #tpu.memory_space<vmem>>, vector<16xi32>,
      %get3A_64 = arith.constant 96 : index
      %get3A_65 = tpu.vector_load %arg6[%get3A_64] {strides = array<i32>} : memref<200xi32, #tpu.memory_space<vmem>>, vector<16xi32>,
      %get3A_66 = arith.constant 112 : index
      %get3A_67 = tpu.vector_load %arg6[%get3A_66] {strides = array<i32>} : memref<200xi32, #tpu.memory_space<vmem>>, vector<16xi32>,
      %get3A_68 = arith.constant 128 : index
      %get3A_69 = tpu.vector_load %arg6[%get3A_68] {strides = array<i32>} : memref<200xi32, #tpu.memory_space<vmem>>, vector<16xi32>,
      %get3A_70 = arith.constant 144 : index
      %get3A_71 = tpu.vector_load %arg6[%get3A_70] {strides = array<i32>} : memref<200xi32, #tpu.memory_space<vmem>>, vector<16xi32>,
      %get3A_72 = arith.constant 160 : index
      %get3A_73 = tpu.vector_load %arg6[%get3A_72] {strides = array<i32>} : memref<200xi32, #tpu.memory_space<vmem>>, vector<16xi32>,
      %get3A_74 = arith.constant 176 : index
      %get3A_75 = tpu.vector_load %arg6[%get3A_74] {strides = array<i32>} : memref<200xi32, #tpu.memory_space<vmem>>, vector<16xi32>,
      %get3A_76 = arith.constant 184 : index
      %get3A_77 = tpu.vector_load %arg6[%get3A_76] {strides = array<i32>} : memref<200xi32, #tpu.memory_space<vmem>>, vector<16xi32>,
      %add3A_78 = arith.constant 0 : i32
      %add3A_79 = vector.broadcast %add3A_78 : i32 to vector<16xi32>
      %add3A_80 = arith.addi %iota3A, %add3A_79 : vector<16xi32>
      %add3A_81 = arith.constant 16 : i32
      %add3A_82 = vector.broadcast %add3A_81 : i32 to vector<16xi32>
      %add3A_83 = arith.addi %iota3A, %add3A_82 : vector<16xi32>
      %add3A_84 = arith.constant 32 : i32
      %add3A_85 = vector.broadcast %add3A_84 : i32 to vector<16xi32>
      %add3A_86 = arith.addi %iota3A, %add3A_85 : vector<16xi32>
      %add3A_87 = arith.constant 48 : i32
      %add3A_88 = vector.broadcast %add3A_87 : i32 to vector<16xi32>
      %add3A_89 = arith.addi %iota3A, %add3A_88 : vector<16xi32>
      %add3A_90 = arith.constant 64 : i32
      %add3A_91 = vector.broadcast %add3A_90 : i32 to vector<16xi32>
      %add3A_92 = arith.addi %iota3A, %add3A_91 : vector<16xi32>
      %add3A_93 = arith.constant 80 : i32
      %add3A_94 = vector.broadcast %add3A_93 : i32 to vector<16xi32>
      %add3A_95 = arith.addi %iota3A, %add3A_94 : vector<16xi32>
      %add3A_96 = arith.constant 96 : i32
      %add3A_97 = vector.broadcast %add3A_96 : i32 to vector<16xi32>
      %add3A_98 = arith.addi %iota3A, %add3A_97 : vector<16xi32>
      %add3A_99 = arith.constant 112 : i32
      %add3A_100 = vector.broadcast %add3A_99 : i32 to vector<16xi32>
      %add3A_101 = arith.addi %iota3A, %add3A_100 : vector<16xi32>
      %add3A_102 = arith.constant 128 : i32
      %add3A_103 = vector.broadcast %add3A_102 : i32 to vector<16xi32>
      %add3A_104 = arith.addi %iota3A, %add3A_103 : vector<16xi32>
      %add3A_105 = arith.constant 144 : i32
      %add3A_106 = vector.broadcast %add3A_105 : i32 to vector<16xi32>
      %add3A_107 = arith.addi %iota3A, %add3A_106 : vector<16xi32>
      %add3A_108 = arith.constant 160 : i32
      %add3A_109 = vector.broadcast %add3A_108 : i32 to vector<16xi32>
      %add3A_110 = arith.addi %iota3A, %add3A_109 : vector<16xi32>
      %add3A_111 = arith.constant 176 : i32
      %add3A_112 = vector.broadcast %add3A_111 : i32 to vector<16xi32>
      %add3A_113 = arith.addi %iota3A, %add3A_112 : vector<16xi32>
      %add3A_114 = arith.constant 184 : i32
      %add3A_115 = vector.broadcast %add3A_114 : i32 to vector<16xi32>
      %add3A_116 = arith.addi %iota3A, %add3A_115 : vector<16xi32>
      %parallel_loop3A = arith.constant 0 : i32
      %parallel_loop3A_117 = arith.constant 100 : i32
      %parallel_loop3A_118 = arith.constant 1 : i32
      scf.for %parallel_loop3A_216 = %parallel_loop3A to %parallel_loop3A_117 step %parallel_loop3A_118  : i32 {
        %parallel_loop3A_217 = vector.broadcast %parallel_loop3A_216 : i32 to vector<16xi32>
        %parallel_loop3A_218 = arith.addi %iota3A, %parallel_loop3A_217 : vector<16xi32>
        %parallel_loop3A_219 = arith.constant 100 : i32
        %parallel_loop3A_220 = vector.broadcast %parallel_loop3A_219 : i32 to vector<16xi32>
        %parallel_loop3A_221 = arith.cmpi sge, %parallel_loop3A_218, %parallel_loop3A_220 : vector<16xi32>
        %parallel_loop3A_222 = arith.constant 100 : i32
        %parallel_loop3A_223 = vector.broadcast %parallel_loop3A_222 : i32 to vector<16xi32>
        %parallel_loop3A_224 = arith.subi %parallel_loop3A_218, %parallel_loop3A_223 : vector<16xi32>
        %parallel_loop3A_225 = arith.select %parallel_loop3A_221, %parallel_loop3A_224, %parallel_loop3A_218 : vector<16xi1>, vector<16xi32>
        %parallel_loop3A_226 = tpu.vector_load_idx %arg5[%get3A_53, %parallel_loop3A_225] : memref<100x100xi32, #tpu.memory_space<vmem>>[vector<16xi32>, vector<16xi32>], vector<16xi32>,
        tpu.vector_store_idx %arg8[%add3A_80, %parallel_loop3A_225], %parallel_loop3A_226 : memref<200x100xi32, #tpu.memory_space<vmem>>[vector<16xi32>, vector<16xi32>], vector<16xi32>,
        %parallel_loop3A_227 = tpu.vector_load_idx %arg5[%get3A_55, %parallel_loop3A_225] : memref<100x100xi32, #tpu.memory_space<vmem>>[vector<16xi32>, vector<16xi32>], vector<16xi32>,
        tpu.vector_store_idx %arg8[%add3A_83, %parallel_loop3A_225], %parallel_loop3A_227 : memref<200x100xi32, #tpu.memory_space<vmem>>[vector<16xi32>, vector<16xi32>], vector<16xi32>,
        %parallel_loop3A_228 = tpu.vector_load_idx %arg5[%get3A_57, %parallel_loop3A_225] : memref<100x100xi32, #tpu.memory_space<vmem>>[vector<16xi32>, vector<16xi32>], vector<16xi32>,
        tpu.vector_store_idx %arg8[%add3A_86, %parallel_loop3A_225], %parallel_loop3A_228 : memref<200x100xi32, #tpu.memory_space<vmem>>[vector<16xi32>, vector<16xi32>], vector<16xi32>,
        %parallel_loop3A_229 = tpu.vector_load_idx %arg5[%get3A_59, %parallel_loop3A_225] : memref<100x100xi32, #tpu.memory_space<vmem>>[vector<16xi32>, vector<16xi32>], vector<16xi32>,
        tpu.vector_store_idx %arg8[%add3A_89, %parallel_loop3A_225], %parallel_loop3A_229 : memref<200x100xi32, #tpu.memory_space<vmem>>[vector<16xi32>, vector<16xi32>], vector<16xi32>,
        %parallel_loop3A_230 = tpu.vector_load_idx %arg5[%get3A_61, %parallel_loop3A_225] : memref<100x100xi32, #tpu.memory_space<vmem>>[vector<16xi32>, vector<16xi32>], vector<16xi32>,
        tpu.vector_store_idx %arg8[%add3A_92, %parallel_loop3A_225], %parallel_loop3A_230 : memref<200x100xi32, #tpu.memory_space<vmem>>[vector<16xi32>, vector<16xi32>], vector<16xi32>,
        %parallel_loop3A_231 = tpu.vector_load_idx %arg5[%get3A_63, %parallel_loop3A_225] : memref<100x100xi32, #tpu.memory_space<vmem>>[vector<16xi32>, vector<16xi32>], vector<16xi32>,
        tpu.vector_store_idx %arg8[%add3A_95, %parallel_loop3A_225], %parallel_loop3A_231 : memref<200x100xi32, #tpu.memory_space<vmem>>[vector<16xi32>, vector<16xi32>], vector<16xi32>,
        %parallel_loop3A_232 = tpu.vector_load_idx %arg5[%get3A_65, %parallel_loop3A_225] : memref<100x100xi32, #tpu.memory_space<vmem>>[vector<16xi32>, vector<16xi32>], vector<16xi32>,
        tpu.vector_store_idx %arg8[%add3A_98, %parallel_loop3A_225], %parallel_loop3A_232 : memref<200x100xi32, #tpu.memory_space<vmem>>[vector<16xi32>, vector<16xi32>], vector<16xi32>,
        %parallel_loop3A_233 = tpu.vector_load_idx %arg5[%get3A_67, %parallel_loop3A_225] : memref<100x100xi32, #tpu.memory_space<vmem>>[vector<16xi32>, vector<16xi32>], vector<16xi32>,
        tpu.vector_store_idx %arg8[%add3A_101, %parallel_loop3A_225], %parallel_loop3A_233 : memref<200x100xi32, #tpu.memory_space<vmem>>[vector<16xi32>, vector<16xi32>], vector<16xi32>,
        %parallel_loop3A_234 = tpu.vector_load_idx %arg5[%get3A_69, %parallel_loop3A_225] : memref<100x100xi32, #tpu.memory_space<vmem>>[vector<16xi32>, vector<16xi32>], vector<16xi32>,
        tpu.vector_store_idx %arg8[%add3A_104, %parallel_loop3A_225], %parallel_loop3A_234 : memref<200x100xi32, #tpu.memory_space<vmem>>[vector<16xi32>, vector<16xi32>], vector<16xi32>,
        %parallel_loop3A_235 = tpu.vector_load_idx %arg5[%get3A_71, %parallel_loop3A_225] : memref<100x100xi32, #tpu.memory_space<vmem>>[vector<16xi32>, vector<16xi32>], vector<16xi32>,
        tpu.vector_store_idx %arg8[%add3A_107, %parallel_loop3A_225], %parallel_loop3A_235 : memref<200x100xi32, #tpu.memory_space<vmem>>[vector<16xi32>, vector<16xi32>], vector<16xi32>,
        %parallel_loop3A_236 = tpu.vector_load_idx %arg5[%get3A_73, %parallel_loop3A_225] : memref<100x100xi32, #tpu.memory_space<vmem>>[vector<16xi32>, vector<16xi32>], vector<16xi32>,
        tpu.vector_store_idx %arg8[%add3A_110, %parallel_loop3A_225], %parallel_loop3A_236 : memref<200x100xi32, #tpu.memory_space<vmem>>[vector<16xi32>, vector<16xi32>], vector<16xi32>,
        %parallel_loop3A_237 = tpu.vector_load_idx %arg5[%get3A_75, %parallel_loop3A_225] : memref<100x100xi32, #tpu.memory_space<vmem>>[vector<16xi32>, vector<16xi32>], vector<16xi32>,
        tpu.vector_store_idx %arg8[%add3A_113, %parallel_loop3A_225], %parallel_loop3A_237 : memref<200x100xi32, #tpu.memory_space<vmem>>[vector<16xi32>, vector<16xi32>], vector<16xi32>,
        %parallel_loop3A_238 = tpu.vector_load_idx %arg5[%get3A_77, %parallel_loop3A_225] : memref<100x100xi32, #tpu.memory_space<vmem>>[vector<16xi32>, vector<16xi32>], vector<16xi32>,
        tpu.vector_store_idx %arg8[%add3A_116, %parallel_loop3A_225], %parallel_loop3A_238 : memref<200x100xi32, #tpu.memory_space<vmem>>[vector<16xi32>, vector<16xi32>], vector<16xi32>,
      } {sc.loop_unroll_factor = 1 : i64, sc.parallel_access}
      %dma_start3A_119 = arith.constant 0 : i32
      %dma_start3A_120 = arith.constant 0 : i32
      %dma_start3A_121 = tpu.memref_slice %arg4[%add3A_38, %dma_start3A_119, %dma_start3A_120] : memref<4096x200x100xi32, #tpu.memory_space<hbm>> -> memref<1x200x100xi32, #tpu.memory_space<hbm>>
      %dma_start3A_122 = tpu.memref_squeeze %dma_start3A_121 : memref<1x200x100xi32, #tpu.memory_space<hbm>> -> memref<200x100xi32, #tpu.memory_space<hbm>>
      %dma_start3A_123 = arith.constant 0 : i32
      %dma_start3A_124 = arith.constant 0 : i32
      %dma_start3A_125 = tpu.memref_slice %arg4[%add3A_38, %dma_start3A_123, %dma_start3A_124] : memref<4096x200x100xi32, #tpu.memory_space<hbm>> -> memref<1x200x100xi32, #tpu.memory_space<hbm>>
      %dma_start3A_126 = tpu.memref_squeeze %dma_start3A_125 : memref<1x200x100xi32, #tpu.memory_space<hbm>> -> memref<200x100xi32, #tpu.memory_space<hbm>>
      tpu.enqueue_dma source(%arg8 : memref<200x100xi32, #tpu.memory_space<vmem>>) target(%dma_start3A_126 : memref<200x100xi32, #tpu.memory_space<hbm>>) target_semaphore(%arg10 : memref<!tpu.dma_semaphore, #tpu.memory_space<semaphore_mem>>)
      %mul3A_127 = arith.constant 200 : i32
      %mul3A_128 = arith.muli %add3A_40, %mul3A_127 : i32
      %dma_wait3A_129 = tpu.memref_slice %arg3[%mul3A_128] : memref<819200xi32, #tpu.memory_space<hbm>> -> memref<200xi32, #tpu.memory_space<hbm>>
      %dma_wait3A_130 = tpu.memref_slice %arg3[%mul3A_128] : memref<819200xi32, #tpu.memory_space<hbm>> -> memref<200xi32, #tpu.memory_space<hbm>>
      tpu.wait_dma2 semaphore(%arg13 : memref<!tpu.dma_semaphore, #tpu.memory_space<semaphore_mem>>) src(%dma_wait3A_130 : memref<200xi32, #tpu.memory_space<hbm>>) dst(%arg7 : memref<200xi32, #tpu.memory_space<vmem>>)
      %mul3A_131 = arith.constant 200 : i32
      %mul3A_132 = arith.muli %min3A, %mul3A_131 : i32
      %dma_start3A_133 = tpu.memref_slice %arg3[%mul3A_132] : memref<819200xi32, #tpu.memory_space<hbm>> -> memref<200xi32, #tpu.memory_space<hbm>>
      %dma_start3A_134 = tpu.memref_slice %arg3[%mul3A_132] : memref<819200xi32, #tpu.memory_space<hbm>> -> memref<200xi32, #tpu.memory_space<hbm>>
      tpu.enqueue_dma source(%dma_start3A_134 : memref<200xi32, #tpu.memory_space<hbm>>) target(%arg6 : memref<200xi32, #tpu.memory_space<vmem>>) target_semaphore(%arg12 : memref<!tpu.dma_semaphore, #tpu.memory_space<semaphore_mem>>)
      %gt3A_135 = arith.constant 0 : i32
      %gt3A_136 = arith.cmpi sgt, %scan3A_35, %gt3A_135 : i32
      %convert_element_type3A_137 = arith.extui %gt3A_136 : i1 to i32
      %cond3A_138 = arith.constant 0 : i32
      %cond3A_139 = arith.cmpi ne, %convert_element_type3A_137, %cond3A_138 : i32
      scf.if %cond3A_139 {
        %dma_wait3A_216 = arith.constant 0 : i32
        %dma_wait3A_217 = arith.constant 0 : i32
        %dma_wait3A_218 = tpu.memref_slice %arg4[%add3A_40, %dma_wait3A_216, %dma_wait3A_217] : memref<4096x200x100xi32, #tpu.memory_space<hbm>> -> memref<1x200x100xi32, #tpu.memory_space<hbm>>
        %dma_wait3A_219 = tpu.memref_squeeze %dma_wait3A_218 : memref<1x200x100xi32, #tpu.memory_space<hbm>> -> memref<200x100xi32, #tpu.memory_space<hbm>>
        %dma_wait3A_220 = arith.constant 0 : i32
        %dma_wait3A_221 = arith.constant 0 : i32
        %dma_wait3A_222 = tpu.memref_slice %arg4[%add3A_40, %dma_wait3A_220, %dma_wait3A_221] : memref<4096x200x100xi32, #tpu.memory_space<hbm>> -> memref<1x200x100xi32, #tpu.memory_space<hbm>>
        %dma_wait3A_223 = tpu.memref_squeeze %dma_wait3A_222 : memref<1x200x100xi32, #tpu.memory_space<hbm>> -> memref<200x100xi32, #tpu.memory_space<hbm>>
        tpu.wait_dma2 semaphore(%arg11 : memref<!tpu.dma_semaphore, #tpu.memory_space<semaphore_mem>>) src(%arg9 : memref<200x100xi32, #tpu.memory_space<vmem>>) dst(%dma_wait3A_223 : memref<200x100xi32, #tpu.memory_space<hbm>>)
      } else {
      }
      %get3A_140 = arith.constant 0 : index
      %get3A_141 = tpu.vector_load %arg7[%get3A_140] {strides = array<i32>} : memref<200xi32, #tpu.memory_space<vmem>>, vector<16xi32>,
      %get3A_142 = arith.constant 16 : index
      %get3A_143 = tpu.vector_load %arg7[%get3A_142] {strides = array<i32>} : memref<200xi32, #tpu.memory_space<vmem>>, vector<16xi32>,
      %get3A_144 = arith.constant 32 : index
      %get3A_145 = tpu.vector_load %arg7[%get3A_144] {strides = array<i32>} : memref<200xi32, #tpu.memory_space<vmem>>, vector<16xi32>,
      %get3A_146 = arith.constant 48 : index
      %get3A_147 = tpu.vector_load %arg7[%get3A_146] {strides = array<i32>} : memref<200xi32, #tpu.memory_space<vmem>>, vector<16xi32>,
      %get3A_148 = arith.constant 64 : index
      %get3A_149 = tpu.vector_load %arg7[%get3A_148] {strides = array<i32>} : memref<200xi32, #tpu.memory_space<vmem>>, vector<16xi32>,
      %get3A_150 = arith.constant 80 : index
      %get3A_151 = tpu.vector_load %arg7[%get3A_150] {strides = array<i32>} : memref<200xi32, #tpu.memory_space<vmem>>, vector<16xi32>,
      %get3A_152 = arith.constant 96 : index
      %get3A_153 = tpu.vector_load %arg7[%get3A_152] {strides = array<i32>} : memref<200xi32, #tpu.memory_space<vmem>>, vector<16xi32>,
      %get3A_154 = arith.constant 112 : index
      %get3A_155 = tpu.vector_load %arg7[%get3A_154] {strides = array<i32>} : memref<200xi32, #tpu.memory_space<vmem>>, vector<16xi32>,
      %get3A_156 = arith.constant 128 : index
      %get3A_157 = tpu.vector_load %arg7[%get3A_156] {strides = array<i32>} : memref<200xi32, #tpu.memory_space<vmem>>, vector<16xi32>,
      %get3A_158 = arith.constant 144 : index
      %get3A_159 = tpu.vector_load %arg7[%get3A_158] {strides = array<i32>} : memref<200xi32, #tpu.memory_space<vmem>>, vector<16xi32>,
      %get3A_160 = arith.constant 160 : index
      %get3A_161 = tpu.vector_load %arg7[%get3A_160] {strides = array<i32>} : memref<200xi32, #tpu.memory_space<vmem>>, vector<16xi32>,
      %get3A_162 = arith.constant 176 : index
      %get3A_163 = tpu.vector_load %arg7[%get3A_162] {strides = array<i32>} : memref<200xi32, #tpu.memory_space<vmem>>, vector<16xi32>,
      %get3A_164 = arith.constant 184 : index
      %get3A_165 = tpu.vector_load %arg7[%get3A_164] {strides = array<i32>} : memref<200xi32, #tpu.memory_space<vmem>>, vector<16xi32>,
      %add3A_166 = arith.constant 0 : i32
      %add3A_167 = vector.broadcast %add3A_166 : i32 to vector<16xi32>
      %add3A_168 = arith.addi %iota3A, %add3A_167 : vector<16xi32>
      %add3A_169 = arith.constant 16 : i32
      %add3A_170 = vector.broadcast %add3A_169 : i32 to vector<16xi32>
      %add3A_171 = arith.addi %iota3A, %add3A_170 : vector<16xi32>
      %add3A_172 = arith.constant 32 : i32
      %add3A_173 = vector.broadcast %add3A_172 : i32 to vector<16xi32>
      %add3A_174 = arith.addi %iota3A, %add3A_173 : vector<16xi32>
      %add3A_175 = arith.constant 48 : i32
      %add3A_176 = vector.broadcast %add3A_175 : i32 to vector<16xi32>
      %add3A_177 = arith.addi %iota3A, %add3A_176 : vector<16xi32>
      %add3A_178 = arith.constant 64 : i32
      %add3A_179 = vector.broadcast %add3A_178 : i32 to vector<16xi32>
      %add3A_180 = arith.addi %iota3A, %add3A_179 : vector<16xi32>
      %add3A_181 = arith.constant 80 : i32
      %add3A_182 = vector.broadcast %add3A_181 : i32 to vector<16xi32>
      %add3A_183 = arith.addi %iota3A, %add3A_182 : vector<16xi32>
      %add3A_184 = arith.constant 96 : i32
      %add3A_185 = vector.broadcast %add3A_184 : i32 to vector<16xi32>
      %add3A_186 = arith.addi %iota3A, %add3A_185 : vector<16xi32>
      %add3A_187 = arith.constant 112 : i32
      %add3A_188 = vector.broadcast %add3A_187 : i32 to vector<16xi32>
      %add3A_189 = arith.addi %iota3A, %add3A_188 : vector<16xi32>
      %add3A_190 = arith.constant 128 : i32
      %add3A_191 = vector.broadcast %add3A_190 : i32 to vector<16xi32>
      %add3A_192 = arith.addi %iota3A, %add3A_191 : vector<16xi32>
      %add3A_193 = arith.constant 144 : i32
      %add3A_194 = vector.broadcast %add3A_193 : i32 to vector<16xi32>
      %add3A_195 = arith.addi %iota3A, %add3A_194 : vector<16xi32>
      %add3A_196 = arith.constant 160 : i32
      %add3A_197 = vector.broadcast %add3A_196 : i32 to vector<16xi32>
      %add3A_198 = arith.addi %iota3A, %add3A_197 : vector<16xi32>
      %add3A_199 = arith.constant 176 : i32
      %add3A_200 = vector.broadcast %add3A_199 : i32 to vector<16xi32>
      %add3A_201 = arith.addi %iota3A, %add3A_200 : vector<16xi32>
      %add3A_202 = arith.constant 184 : i32
      %add3A_203 = vector.broadcast %add3A_202 : i32 to vector<16xi32>
      %add3A_204 = arith.addi %iota3A, %add3A_203 : vector<16xi32>
      %parallel_loop3A_205 = arith.constant 0 : i32
      %parallel_loop3A_206 = arith.constant 100 : i32
      %parallel_loop3A_207 = arith.constant 1 : i32
      scf.for %parallel_loop3A_216 = %parallel_loop3A_205 to %parallel_loop3A_206 step %parallel_loop3A_207  : i32 {
        %parallel_loop3A_217 = vector.broadcast %parallel_loop3A_216 : i32 to vector<16xi32>
        %parallel_loop3A_218 = arith.addi %iota3A, %parallel_loop3A_217 : vector<16xi32>
        %parallel_loop3A_219 = arith.constant 100 : i32
        %parallel_loop3A_220 = vector.broadcast %parallel_loop3A_219 : i32 to vector<16xi32>
        %parallel_loop3A_221 = arith.cmpi sge, %parallel_loop3A_218, %parallel_loop3A_220 : vector<16xi32>
        %parallel_loop3A_222 = arith.constant 100 : i32
        %parallel_loop3A_223 = vector.broadcast %parallel_loop3A_222 : i32 to vector<16xi32>
        %parallel_loop3A_224 = arith.subi %parallel_loop3A_218, %parallel_loop3A_223 : vector<16xi32>
        %parallel_loop3A_225 = arith.select %parallel_loop3A_221, %parallel_loop3A_224, %parallel_loop3A_218 : vector<16xi1>, vector<16xi32>
        %parallel_loop3A_226 = tpu.vector_load_idx %arg5[%get3A_141, %parallel_loop3A_225] : memref<100x100xi32, #tpu.memory_space<vmem>>[vector<16xi32>, vector<16xi32>], vector<16xi32>,
        tpu.vector_store_idx %arg9[%add3A_168, %parallel_loop3A_225], %parallel_loop3A_226 : memref<200x100xi32, #tpu.memory_space<vmem>>[vector<16xi32>, vector<16xi32>], vector<16xi32>,
        %parallel_loop3A_227 = tpu.vector_load_idx %arg5[%get3A_143, %parallel_loop3A_225] : memref<100x100xi32, #tpu.memory_space<vmem>>[vector<16xi32>, vector<16xi32>], vector<16xi32>,
        tpu.vector_store_idx %arg9[%add3A_171, %parallel_loop3A_225], %parallel_loop3A_227 : memref<200x100xi32, #tpu.memory_space<vmem>>[vector<16xi32>, vector<16xi32>], vector<16xi32>,
        %parallel_loop3A_228 = tpu.vector_load_idx %arg5[%get3A_145, %parallel_loop3A_225] : memref<100x100xi32, #tpu.memory_space<vmem>>[vector<16xi32>, vector<16xi32>], vector<16xi32>,
        tpu.vector_store_idx %arg9[%add3A_174, %parallel_loop3A_225], %parallel_loop3A_228 : memref<200x100xi32, #tpu.memory_space<vmem>>[vector<16xi32>, vector<16xi32>], vector<16xi32>,
        %parallel_loop3A_229 = tpu.vector_load_idx %arg5[%get3A_147, %parallel_loop3A_225] : memref<100x100xi32, #tpu.memory_space<vmem>>[vector<16xi32>, vector<16xi32>], vector<16xi32>,
        tpu.vector_store_idx %arg9[%add3A_177, %parallel_loop3A_225], %parallel_loop3A_229 : memref<200x100xi32, #tpu.memory_space<vmem>>[vector<16xi32>, vector<16xi32>], vector<16xi32>,
        %parallel_loop3A_230 = tpu.vector_load_idx %arg5[%get3A_149, %parallel_loop3A_225] : memref<100x100xi32, #tpu.memory_space<vmem>>[vector<16xi32>, vector<16xi32>], vector<16xi32>,
        tpu.vector_store_idx %arg9[%add3A_180, %parallel_loop3A_225], %parallel_loop3A_230 : memref<200x100xi32, #tpu.memory_space<vmem>>[vector<16xi32>, vector<16xi32>], vector<16xi32>,
        %parallel_loop3A_231 = tpu.vector_load_idx %arg5[%get3A_151, %parallel_loop3A_225] : memref<100x100xi32, #tpu.memory_space<vmem>>[vector<16xi32>, vector<16xi32>], vector<16xi32>,
        tpu.vector_store_idx %arg9[%add3A_183, %parallel_loop3A_225], %parallel_loop3A_231 : memref<200x100xi32, #tpu.memory_space<vmem>>[vector<16xi32>, vector<16xi32>], vector<16xi32>,
        %parallel_loop3A_232 = tpu.vector_load_idx %arg5[%get3A_153, %parallel_loop3A_225] : memref<100x100xi32, #tpu.memory_space<vmem>>[vector<16xi32>, vector<16xi32>], vector<16xi32>,
        tpu.vector_store_idx %arg9[%add3A_186, %parallel_loop3A_225], %parallel_loop3A_232 : memref<200x100xi32, #tpu.memory_space<vmem>>[vector<16xi32>, vector<16xi32>], vector<16xi32>,
        %parallel_loop3A_233 = tpu.vector_load_idx %arg5[%get3A_155, %parallel_loop3A_225] : memref<100x100xi32, #tpu.memory_space<vmem>>[vector<16xi32>, vector<16xi32>], vector<16xi32>,
        tpu.vector_store_idx %arg9[%add3A_189, %parallel_loop3A_225], %parallel_loop3A_233 : memref<200x100xi32, #tpu.memory_space<vmem>>[vector<16xi32>, vector<16xi32>], vector<16xi32>,
        %parallel_loop3A_234 = tpu.vector_load_idx %arg5[%get3A_157, %parallel_loop3A_225] : memref<100x100xi32, #tpu.memory_space<vmem>>[vector<16xi32>, vector<16xi32>], vector<16xi32>,
        tpu.vector_store_idx %arg9[%add3A_192, %parallel_loop3A_225], %parallel_loop3A_234 : memref<200x100xi32, #tpu.memory_space<vmem>>[vector<16xi32>, vector<16xi32>], vector<16xi32>,
        %parallel_loop3A_235 = tpu.vector_load_idx %arg5[%get3A_159, %parallel_loop3A_225] : memref<100x100xi32, #tpu.memory_space<vmem>>[vector<16xi32>, vector<16xi32>], vector<16xi32>,
        tpu.vector_store_idx %arg9[%add3A_195, %parallel_loop3A_225], %parallel_loop3A_235 : memref<200x100xi32, #tpu.memory_space<vmem>>[vector<16xi32>, vector<16xi32>], vector<16xi32>,
        %parallel_loop3A_236 = tpu.vector_load_idx %arg5[%get3A_161, %parallel_loop3A_225] : memref<100x100xi32, #tpu.memory_space<vmem>>[vector<16xi32>, vector<16xi32>], vector<16xi32>,
        tpu.vector_store_idx %arg9[%add3A_198, %parallel_loop3A_225], %parallel_loop3A_236 : memref<200x100xi32, #tpu.memory_space<vmem>>[vector<16xi32>, vector<16xi32>], vector<16xi32>,
        %parallel_loop3A_237 = tpu.vector_load_idx %arg5[%get3A_163, %parallel_loop3A_225] : memref<100x100xi32, #tpu.memory_space<vmem>>[vector<16xi32>, vector<16xi32>], vector<16xi32>,
        tpu.vector_store_idx %arg9[%add3A_201, %parallel_loop3A_225], %parallel_loop3A_237 : memref<200x100xi32, #tpu.memory_space<vmem>>[vector<16xi32>, vector<16xi32>], vector<16xi32>,
        %parallel_loop3A_238 = tpu.vector_load_idx %arg5[%get3A_165, %parallel_loop3A_225] : memref<100x100xi32, #tpu.memory_space<vmem>>[vector<16xi32>, vector<16xi32>], vector<16xi32>,
        tpu.vector_store_idx %arg9[%add3A_204, %parallel_loop3A_225], %parallel_loop3A_238 : memref<200x100xi32, #tpu.memory_space<vmem>>[vector<16xi32>, vector<16xi32>], vector<16xi32>,
      } {sc.loop_unroll_factor = 1 : i64, sc.parallel_access}
      %dma_start3A_208 = arith.constant 0 : i32
      %dma_start3A_209 = arith.constant 0 : i32
      %dma_start3A_210 = tpu.memref_slice %arg4[%add3A_40, %dma_start3A_208, %dma_start3A_209] : memref<4096x200x100xi32, #tpu.memory_space<hbm>> -> memref<1x200x100xi32, #tpu.memory_space<hbm>>
      %dma_start3A_211 = tpu.memref_squeeze %dma_start3A_210 : memref<1x200x100xi32, #tpu.memory_space<hbm>> -> memref<200x100xi32, #tpu.memory_space<hbm>>
      %dma_start3A_212 = arith.constant 0 : i32
      %dma_start3A_213 = arith.constant 0 : i32
      %dma_start3A_214 = tpu.memref_slice %arg4[%add3A_40, %dma_start3A_212, %dma_start3A_213] : memref<4096x200x100xi32, #tpu.memory_space<hbm>> -> memref<1x200x100xi32, #tpu.memory_space<hbm>>
      %dma_start3A_215 = tpu.memref_squeeze %dma_start3A_214 : memref<1x200x100xi32, #tpu.memory_space<hbm>> -> memref<200x100xi32, #tpu.memory_space<hbm>>
      tpu.enqueue_dma source(%arg9 : memref<200x100xi32, #tpu.memory_space<vmem>>) target(%dma_start3A_215 : memref<200x100xi32, #tpu.memory_space<hbm>>) target_semaphore(%arg11 : memref<!tpu.dma_semaphore, #tpu.memory_space<semaphore_mem>>)
    }
    %scan3A_13 = arith.constant 64 : i32
    %sub3A_14 = arith.constant 1 : i32
    %sub3A_15 = arith.subi %sub3A_5, %sub3A_14 : i32
    %dma_wait3A = arith.constant 0 : i32
    %dma_wait3A_16 = arith.constant 0 : i32
    %dma_wait3A_17 = tpu.memref_slice %arg4[%sub3A_15, %dma_wait3A, %dma_wait3A_16] : memref<4096x200x100xi32, #tpu.memory_space<hbm>> -> memref<1x200x100xi32, #tpu.memory_space<hbm>>
    %dma_wait3A_18 = tpu.memref_squeeze %dma_wait3A_17 : memref<1x200x100xi32, #tpu.memory_space<hbm>> -> memref<200x100xi32, #tpu.memory_space<hbm>>
    %dma_wait3A_19 = arith.constant 0 : i32
    %dma_wait3A_20 = arith.constant 0 : i32
    %dma_wait3A_21 = tpu.memref_slice %arg4[%sub3A_15, %dma_wait3A_19, %dma_wait3A_20] : memref<4096x200x100xi32, #tpu.memory_space<hbm>> -> memref<1x200x100xi32, #tpu.memory_space<hbm>>
    %dma_wait3A_22 = tpu.memref_squeeze %dma_wait3A_21 : memref<1x200x100xi32, #tpu.memory_space<hbm>> -> memref<200x100xi32, #tpu.memory_space<hbm>>
    tpu.wait_dma2 semaphore(%arg10 : memref<!tpu.dma_semaphore, #tpu.memory_space<semaphore_mem>>) src(%arg8 : memref<200x100xi32, #tpu.memory_space<vmem>>) dst(%dma_wait3A_22 : memref<200x100xi32, #tpu.memory_space<hbm>>)
    %dma_wait3A_23 = arith.constant 0 : i32
    %dma_wait3A_24 = arith.constant 0 : i32
    %dma_wait3A_25 = tpu.memref_slice %arg4[%sub3A_5, %dma_wait3A_23, %dma_wait3A_24] : memref<4096x200x100xi32, #tpu.memory_space<hbm>> -> memref<1x200x100xi32, #tpu.memory_space<hbm>>
    %dma_wait3A_26 = tpu.memref_squeeze %dma_wait3A_25 : memref<1x200x100xi32, #tpu.memory_space<hbm>> -> memref<200x100xi32, #tpu.memory_space<hbm>>
    %dma_wait3A_27 = arith.constant 0 : i32
    %dma_wait3A_28 = arith.constant 0 : i32
    %dma_wait3A_29 = tpu.memref_slice %arg4[%sub3A_5, %dma_wait3A_27, %dma_wait3A_28] : memref<4096x200x100xi32, #tpu.memory_space<hbm>> -> memref<1x200x100xi32, #tpu.memory_space<hbm>>
    %dma_wait3A_30 = tpu.memref_squeeze %dma_wait3A_29 : memref<1x200x100xi32, #tpu.memory_space<hbm>> -> memref<200x100xi32, #tpu.memory_space<hbm>>
    tpu.wait_dma2 semaphore(%arg11 : memref<!tpu.dma_semaphore, #tpu.memory_space<semaphore_mem>>) src(%arg9 : memref<200x100xi32, #tpu.memory_space<vmem>>) dst(%dma_wait3A_30 : memref<200x100xi32, #tpu.memory_space<hbm>>)
    %mul3A_31 = arith.constant 200 : i32
    %mul3A_32 = arith.muli %sub3A_5, %mul3A_31 : i32
    %dma_wait3A_33 = tpu.memref_slice %arg3[%mul3A_32] : memref<819200xi32, #tpu.memory_space<hbm>> -> memref<200xi32, #tpu.memory_space<hbm>>
    %dma_wait3A_34 = tpu.memref_slice %arg3[%mul3A_32] : memref<819200xi32, #tpu.memory_space<hbm>> -> memref<200xi32, #tpu.memory_space<hbm>>
    tpu.wait_dma2 semaphore(%arg12 : memref<!tpu.dma_semaphore, #tpu.memory_space<semaphore_mem>>) src(%dma_wait3A_34 : memref<200xi32, #tpu.memory_space<hbm>>) dst(%arg6 : memref<200xi32, #tpu.memory_space<vmem>>)
    return
  }
}

module attributes {stable_mosaic.version = 14 : i64} {
  func.func @_m_body(%arg0: memref<100x2xf32, #tpu.memory_space<vmem>>, %arg1: memref<2x100xf32, #tpu.memory_space<vmem>>, %arg2: memref<1x100xf32, #tpu.memory_space<vmem>>, %arg3: memref<100x100xf32, #tpu.memory_space<vmem>>) attributes {dimension_semantics = [], scalar_prefetch = 0 : i64, scratch_operands = 0 : i64, tpu.core_type = #tpu.core_type<tc>} {
    %get3A = arith.constant 0 : index
    %get3A_0 = arith.constant 0 : index
    %get3A_1 = vector.load %arg0[%get3A, %get3A_0] : memref<100x2xf32, #tpu.memory_space<vmem>>, vector<100x1xf32>
    %get3A_2 = arith.constant 0 : index
    %get3A_3 = arith.constant 0 : index
    %get3A_4 = vector.load %arg1[%get3A_2, %get3A_3] : memref<2x100xf32, #tpu.memory_space<vmem>>, vector<1x100xf32>
    %mul3A = vector.broadcast %get3A_1 : vector<100x1xf32> to vector<100x100xf32>
    %mul3A_5 = vector.broadcast %get3A_4 : vector<1x100xf32> to vector<100x100xf32>
    %mul3A_6 = arith.mulf %mul3A, %mul3A_5 : vector<100x100xf32>
    %get3A_7 = arith.constant 0 : index
    %get3A_8 = arith.constant 1 : index
    %get3A_9 = vector.load %arg0[%get3A_7, %get3A_8] : memref<100x2xf32, #tpu.memory_space<vmem>>, vector<100x1xf32>
    %get3A_10 = arith.constant 1 : index
    %get3A_11 = arith.constant 0 : index
    %get3A_12 = vector.load %arg1[%get3A_10, %get3A_11] : memref<2x100xf32, #tpu.memory_space<vmem>>, vector<1x100xf32>
    %mul3A_13 = vector.broadcast %get3A_9 : vector<100x1xf32> to vector<100x100xf32>
    %mul3A_14 = vector.broadcast %get3A_12 : vector<1x100xf32> to vector<100x100xf32>
    %mul3A_15 = arith.mulf %mul3A_13, %mul3A_14 : vector<100x100xf32>
    %add3A = arith.addf %mul3A_6, %mul3A_15 : vector<100x100xf32>
    %get3A_16 = arith.constant 0 : index
    %get3A_17 = arith.constant 0 : index
    %get3A_18 = vector.load %arg2[%get3A_16, %get3A_17] : memref<1x100xf32, #tpu.memory_space<vmem>>, vector<1x100xf32>
    %add3A_19 = vector.broadcast %get3A_18 : vector<1x100xf32> to vector<100x100xf32>
    %add3A_20 = arith.addf %add3A, %add3A_19 : vector<100x100xf32>
    %swap3A = arith.constant 0 : index
    %swap3A_21 = arith.constant 0 : index
    %swap3A_22 = vector.load %arg3[%swap3A, %swap3A_21] : memref<100x100xf32, #tpu.memory_space<vmem>>, vector<100x100xf32>
    tpu.vector_store %arg3[%swap3A, %swap3A_21], %add3A_20 {strides = array<i32>} : memref<100x100xf32, #tpu.memory_space<vmem>>, vector<100x100xf32>,
    return
  }
}

</mosaic_0001>

<sc_bundles>
// kernel: kernel.4.cloned.1.call-start
scs
__scs_entry_jumppad:
0x0: {  	(pc) =	sbr.rel $0x88, $3  }
0x1: {  	(tag) =	ssettag $0x0;
	lr =	simm.s32 $0x1  }
0x2: {  	[smem:$0x3F9D] =	sst lr;
	_ =	strace $0xD0000000  }
0x3: {  	_ = 	snop  }
0x4: {  	_ = 	snop  }
0x5: {  	_ = 	snop  }
0x6: {  	_ = 	snop  }
0x7: {  	_ = 	snop  }
__scs_overlays_trampoline_lowered:
0x8: {  	[smem:$0x3FAC] =	sst s0  }
0x9: {  	[smem:$0x3FAD] =	sst s1  }
0xa: {  	[smem:$0x3FAE] =	sst s2  }
0xb: {  	[smem:$0x3FAF] =	sst s3  }
0xc: {  	[smem:$0x3FB0] =	sst s4  }
0xd: {  	[smem:$0x3FB1] =	sst s5  }
0xe: {  	[smem:$0x3FB2] =	sst s6  }
0xf: {  	[smem:$0x3FB3] =	sst s7  }
0x10: {  	[smem:$0x3FB4] =	sst s8  }
0x11: {  	[smem:$0x3FB5] =	sst s9;
	s0 =	simm.s32 @!p0 $0x0  }
0x12: {  	s1 =	sld [smem:$0x3F9B];
	s0 =	simm.s32 @p0 $0x1  }
0x13: {  	[smem:$0x3FB6] =	sst s0;
	s0 =	simm.s32 @!p1 $0x0  }
0x14: {  	s2 =	sld [smem:$0x3F9A];
	s0 =	simm.s32 @p1 $0x1  }
0x15: {  	[smem:$0x3FB7] =	sst s0;
	s0 =	simm.s32 @!p2 $0x0  }
0x16: {  	s3 =	sld [smem:$0x3FDB];
	s0 =	simm.s32 @p2 $0x1  }
0x17: {  	s4 =	simm.s32 $0x1BF5;
	[smem:$0x3FB9] =	sst s0  }
0x18: {  	s0 =	sld [smem:$0x3F9C];
	_ =	swait.ge [sflag:s4], $0x0  }
0x19: {  	s7 =	sld [smem:$0x3F9D]  }
0x1a: {  	s8 =	sadd.s32 $0xFFFFE003, lr  }
0x1b: {  	s9 =	sadd.s32 $0xFFFFFEF7, lr;
	s5 =	simm.s32 $0xFFFFFFFF;
	p2 =	slt.u32 s8, $0xFFFFF086  }
0x1c: {  	p1 =	slt.u32 s9, $0xF7A;
	s5 =	simm.s32 @!p2 $0x0  }
0x1d: {  	s5 =	simm.s32 @p1 $0x1;
	p0 =	seq.s32 s7, s2  }
0x1e: {  	s7 =	smul.u32 @!p0 $0xF7A, s2;
	p2 =	seq.s32 @!p0 s5, $0x0  }
0x1f: {  	s9 =	smul.u32 $0xF7A, s1;
	s8 =	simm.s32 @!p0 $0x1BF5;
	p2 =	por !p2, p0  }
0x20: {  	[sflag:s8] =	ssyncset.s32 @!p0 $0xFFFFF086;
	s6 =	sadd.s32 @!p0 s3, s7;
	s7 =	simm.s32 @!p0 $0x108  }
0x21: {  	s3 =	sadd.s32 s3, s9;
	s6 =	sadd.s32 @!p0 $0x88, s6;
	s7 =	simm.s32 @p2 $0x1082  }
0x22: {  	[simem:s7], [sflag:s8] =	dma.local @!p0 [hbm:s6], $0xF7A  }
0x23: {  	s9 =	sor.u32 $0xD0000000, s2;
	s6 =	simm.s32 $0x108;
	_ =	swait.ge @!p0 [sflag:s8], $0x0  }
0x24: {  	s3 =	sadd.s32 $0x88, s3;
	s6 =	simm.s32 @!p1 $0x1082;
	[sflag:s4] =	ssyncset.s32 $0xFFFFF086  }
0x25: {  	[simem:s6], [sflag:s4] =	dma.local [hbm:s3], $0xF7A  }
0x26: {  	[smem:$0x3F9D] =	sst s1;
	(tag) =	ssettag s2;
	_ =	strace s9  }
0x27: {  	s1 =	sld [smem:$0x3FAD]  }
0x28: {  	s2 =	sld [smem:$0x3FAE]  }
0x29: {  	s4 =	sld [smem:$0x3FB0]  }
0x2a: {  	p0 =	seq.s32 s5, $0x0;
	s5 =	sld [smem:$0x3FB1]  }
0x2b: {  	s6 =	sld [smem:$0x3FB2]  }
0x2c: {  	s7 =	sld [smem:$0x3FB3]  }
0x2d: {  	s3 =	simm.s32 $0x108;
	s8 =	sld [smem:$0x3FB4]  }
0x2e: {  	s3 =	simm.s32 @!p0 $0x1082;
	s9 =	sld [smem:$0x3FB5]  }
0x2f: {  	lr =	sadd.s32 s0, s3;
	s0 =	sld [smem:$0x3FAC]  }
0x30: {  	s3 =	sld [smem:$0x3FAF]  }
0x31: {  	[smem:$0x3FB8] =	sst s10  }
0x32: {  	s10 =	sld [smem:$0x3FB6];
	_ =	sdelay $0x3  }
0x33: {  	p0 =	seq.s32 s10, $0x1;
	s10 =	sld [smem:$0x3FB8];
	_ =	sdelay $0x3  }
0x34: {  	[smem:$0x3FB8] =	sst s10  }
0x35: {  	s10 =	sld [smem:$0x3FB7];
	_ =	sdelay $0x3  }
0x36: {  	p1 =	seq.s32 s10, $0x1;
	s10 =	sld [smem:$0x3FB8];
	_ =	sdelay $0x3  }
0x37: {  	[smem:$0x3FB8] =	sst s10  }
0x38: {  	s10 =	sld [smem:$0x3FB9]  }
0x39: {  	_ = 	snop;
	(pc) =	sbr.ind lr, $3  }
0x3a: {  	_ = 	snop  }
0x3b: {  	_ = 	snop  }
0x3c: {  	p2 =	seq.s32 s10, $0x1;
	s10 =	sld [smem:$0x3FB8]  }
0x3d: {  	_ =	shalt  }
0x3e: {  	_ =	shalt  }
0x3f: {  	_ =	shalt  }
0x40: {  	_ =	shalt  }
0x41: {  	_ =	shalt  }
0x42: {  	_ =	shalt  }
0x43: {  	_ =	shalt  }
0x44: {  	_ =	shalt  }
0x45: {  	_ =	shalt  }
0x46: {  	_ =	shalt  }
0x47: {  	_ =	shalt  }
0x48: {  	_ =	shalt  }
0x49: {  	_ =	shalt  }
0x4a: {  	_ =	shalt  }
0x4b: {  	_ =	shalt  }
0x4c: {  	_ =	shalt  }
0x4d: {  	_ =	shalt  }
0x4e: {  	_ =	shalt  }
0x4f: {  	_ =	shalt  }
0x50: {  	_ =	shalt  }
0x51: {  	_ =	shalt  }
0x52: {  	_ =	shalt  }
0x53: {  	_ =	shalt  }
0x54: {  	_ =	shalt  }
0x55: {  	_ =	shalt  }
0x56: {  	_ =	shalt  }
0x57: {  	_ =	shalt  }
0x58: {  	_ =	shalt  }
0x59: {  	_ =	shalt  }
0x5a: {  	_ =	shalt  }
0x5b: {  	_ =	shalt  }
0x5c: {  	_ =	shalt  }
0x5d: {  	_ =	shalt  }
0x5e: {  	_ =	shalt  }
0x5f: {  	_ =	shalt  }
0x60: {  	_ =	shalt  }
0x61: {  	_ =	shalt  }
0x62: {  	_ =	shalt  }
0x63: {  	_ =	shalt  }
0x64: {  	_ =	shalt  }
0x65: {  	_ =	shalt  }
0x66: {  	_ =	shalt  }
0x67: {  	_ =	shalt  }
0x68: {  	_ =	shalt  }
0x69: {  	_ =	shalt  }
0x6a: {  	_ =	shalt  }
0x6b: {  	_ =	shalt  }
0x6c: {  	_ =	shalt  }
0x6d: {  	_ =	shalt  }
0x6e: {  	_ =	shalt  }
0x6f: {  	_ =	shalt  }
0x70: {  	_ =	shalt  }
0x71: {  	_ =	shalt  }
0x72: {  	_ =	shalt  }
0x73: {  	_ =	shalt  }
0x74: {  	_ =	shalt  }
0x75: {  	_ =	shalt  }
0x76: {  	_ =	shalt  }
0x77: {  	_ =	shalt  }
0x78: {  	_ =	shalt  }
0x79: {  	_ =	shalt  }
0x7a: {  	_ =	shalt  }
0x7b: {  	_ =	shalt  }
0x7c: {  	_ =	shalt  }
0x7d: {  	_ =	shalt  }
0x7e: {  	_ =	shalt  }
0x7f: {  	_ =	shalt  }
0x80: {  	_ =	shalt  }
0x81: {  	_ =	shalt  }
0x82: {  	_ =	shalt  }
0x83: {  	_ =	shalt  }
0x84: {  	_ =	shalt  }
0x85: {  	_ =	shalt  }
0x86: {  	_ =	shalt  }
0x87: {  	_ =	shalt  }
.Lfunc_end0:
.L_simem_size_0:
called_computation.1_lowered:
.L_overlay_start_0:
0x88: {  	s2 =	sld [smem:$0x3FD9]  }
0x89: {  	s3 =	sld [smem:$0x3FFE];
	_ =	sdelay $0x1  }
0x8a: {  	s1 =	srdreg.scid  }
0x8b: {  	s0 =	sand.u32 $0x1, s1  }
0x8c: {  	s17 =	sshll.u32 s0, $0xA;
	s2 =	sadd.s32 s3, s2  }
0x8d: {  	s2 =	sadd.s32 s2, s17  }
0x8e: {  	[smem:$0x3FC4] =	sst s2  }
0x8f: {  	_ = 	snop  }
0x90: {  	s2 =	sld [smem:$0x3FD0];
	(tm) =	ssettm $0x1  }
0x91: {  	s18 =	sld [smem:$0x3FFB];
	_ =	sdelay $0x3  }
0x92: {  	_ =	strace s18  }
0x93: {  	s3 =	sld [smem:$0x3FFC];
	_ =	sdelay $0x3  }
0x94: {  	_ =	strace s3  }
0x95: {  	s3 =	sld [smem:$0x3FFD];
	_ =	sdelay $0x3  }
0x96: {  	_ =	strace s3  }
0x97: {  	_ =	strace $0x8FFFFFFF  }
0x98: {  	s19 =	sld [smem:$0x3FDB];
	_ =	sdelay $0x1  }
0x99: {  	s4 =	simm.s32 $_scs_section_size  }
0x9a: {  	s5 =	simm.s32 $_size__tile_overlayer_lowered;
	s6 =	simm.s32 $_tile_overlayer_lowered  }
0x9b: {  	s22 =	simm.s32 $0x1BFF;
	s21 =	sshll.u32 s6, $0x1;
	s3 =	sadd.s32 s4, s19  }
0x9c: {  	s7 =	simm.s32 $0x0;
	s20 =	sshll.u32 s5, $0x1;
	s5 =	sadd.s32 s21, s3  }
0x9d: {  	[timem:s7], [sflag:s22] =	dma.local [hbm:s5], s20  }
0x9e: {  	_ =	swait.ge [sflag:s22], s20  }
0x9f: {  	s4 =	ssub.s32 $0x0, s20;
	[sflag:s22] =	ssyncset.done $0x0  }
0xa0: {  	[sflag:s22] =	ssyncadd.s32 s4;
	_ =	sdelay $0x1  }
0xa1: {  	s23 =	simm.s32 $0x1B8B  }
0xa2: {  	_ =	swait.ge [sflag:s23], $0x1  }
0xa3: {  	[sflag:s23] =	ssyncset.done $0x0  }
0xa4: {  	s25 =	simm.s32 $0x1B8E;
	s24 =	sld [smem:$0x3FFE];
	[sflag:s23] =	ssyncadd.s32 $0xFFFFFFFF  }
0xa5: {  	s26 =	simm.s32 $execute0_lowered;
	[smem:$0x3FD2] =	sst s25  }
0xa6: {  	s5 =	sshll.u32 s26, $0x1;
	_ =	strace $0x80000046;
	[dreg:$0x1] =	wrdreg $0xFFFFFFFF  }
0xa7: {  	s28 =	simm.s32 $_size_execute0_lowered;
	s3 =	sadd.s32 s3, s5;
	[dreg:$0x0] =	wrdreg $0x0  }
0xa8: {  	s5 =	sshll.u32 s28, $0x1;
	[dreg:$0x2] =	wrdreg s3  }
0xa9: {  	[dreg:$0x3] =	wrdreg s5  }
0xaa: {  	[dreg:$0x4] =	wrdreg $0xC0  }
0xab: {  	_ =	task [dreg:s7], $0x5FFFF  }
0xac: {  	[dreg:$0x1] =	wrdreg $0xFFFFFFFF  }
0xad: {  	[dreg:$0x0] =	wrdreg $0x60  }
0xae: {  	[dreg:$0x2] =	wrdreg s24  }
0xaf: {  	[dreg:$0x3] =	wrdreg s2  }
0xb0: {  	[dreg:$0x4] =	wrdreg $0x9  }
0xb1: {  	_ =	task.clear_ibuf [dreg:s7], $0x5FFFF;
	_ =	strace $0x90000046  }
0xb2: {  	s29 =	simm.s32 $0x9;
	_ =	strace $0x80000048  }
0xb3: {  	_ =	swait.ge [sflag:s29], $0x1  }
0xb4: {  	[sflag:s29] =	ssyncadd.s32 $0xFFFFFFFF  }
0xb5: {  	_ =	strace $0x90000048  }
0xb6: {  	_ =	sfence  }
0xb7: {  	s30 =	sld [smem:$0x0];
	_ =	sdelay $0x2  }
0xb8: {  	s31 =	sshll.u32 s1, $0xD;
	s1 =	sshrl.u32 s1, $0x2  }
0xb9: {  	s3 =	sand.u32 $0x4000, s31;
	s1 =	sadd.s32 s1, s30  }
0xba: {  	s0 =	sor.u32 s3, s0;
	s1 =	sshll.u32 s1, $0x11  }
0xbb: {  	s0 =	sor.u32 s1, s0  }
0xbc: {  	s0 =	sadd.s32 $0x8F2B, s0  }
0xbd: {  	[sflag:s0] =	ssyncadd.remote.s32 $0x1  }
0xbe: {  	_ =	sfence.sel $0xFFFF  }
0xbf: {  	[dreg:$0x0] =	wrdreg $0xFFFFFFFF;
	(pc) =	sbr.abs _section_cstart, $3  }
0xc0: {  	[dreg:$0x1] =	wrdreg $0xFFFFFFFF  }
0xc1: {  	_ =	task.clear_ibuf [dreg:s7], $0x2FFFF;
	_ =	strace $0x9FFFFFFF  }
0xc2: {  	(tm) =	ssettm $0x7FFFFFFF  }
0xc3: {  	_ =	shalt  }
tec
execute0_lowered:
.L_overlay_start_1:
0x0: {  	(tag) =	ssettag $0x1  }
0x1: {  	s5 =	rddreg [dreg:$0x0]  }
0x2: {  	s1 =	rddreg [dreg:$0x1]  }
0x3: {  	s0 =	rddreg [dreg:$0x2];
	s3 =	simm.s32 $0x0  }
0x4: {  	s4 =	srdreg.scid;
	s2 =	stileid.u32;
	s11 =	simm.s32 $0x3400  }
0x5: {  	s12 =	simm.s32 $0x3;
	s13 =	simm.s32 $0x3500;
	s14 =	simm.s32 $0x3600  }
0x6: {  	v0 =	vlaneseq.u32;
	s15 =	simm.s32 $0x4;
	s16 =	simm.s32 $0x9A00;
	s17 =	simm.s32 $0x1  }
0x7: {  	s18 =	simm.s32 $0x2;
	s19 =	simm.s32 $0x0;
	[smem:$0x7FF] =	sst s3;
	v1 =	vmul.u32 $0x80, v0  }
0x8: {  	s6 =	sand.u32 $0x1, s4;
	s7 =	sshll.u32 s2, $0x1;
	s4 =	sadd.s32 $0xC00, s5;
	v2 =	vadd.s32 $0xFFFFFF9C, v0  }
0x9: {  	s5 =	sadd.s32 $0x1400, s5;
	s8 =	ssub.s32 $0x2, s6;
	s7 =	sor.u32 s6, s7;
	v3 =	vor.u32 $0x800, v1;
	v4 =	vor.u32 $0x1000, v1;
	v5 =	vor.u32 $0x1800, v1  }
0xa: {  	_ =	strace $0x80000047;
	s31 =	sshrl.u32 s8, $0x1;
	s9 =	smul.u32 $0xC80, s7;
	v6 =	vor.u32 $0x2000, v1;
	v7 =	vor.u32 $0x2800, v1;
	v8 =	vor.u32 $0x3000, v1  }
0xb: {  	s6 =	sshll.u32 s7, $0x7;
	s7 =	sshllo.u32 s7, $0x7;
	v9 =	vor.u32 $0x3800, v1;
	v10 =	vor.u32 $0x4000, v1;
	v11 =	vor.u32 $0x4800, v1;
	s10 =	ssub.s32 s8, s31  }
0xc: {  	v12 =	vor.u32 $0x5000, v1;
	v13 =	vor.u32 $0x5800, v1;
	v14 =	vadd.s32 $0x5C00, v1;
	s8 =	sadd.s32 s1, s9;
	s9 =	smax.u32 s10, $0x1;
	s10 =	simm.s32 $0x5  }
.LBB2_1:
0xd: {  	[tilespmem:s3], [sflag:$0x5] =	stream.linear.gather [hbm4b:s4+s3], $0x3200, $0x38;
	[tilespmem:$0xFE00] =	vst v63  }
0xe: {  	_ =	swait.ge [sflag:s10], $0x3200  }
0xf: {  	[sflag:s10] =	ssyncset.done $0x0  }
0x10: {  	s20 =	simm.s32 $0x0;
	[sflag:s10] =	ssyncadd.s32 $0xFFFFCE00  }
0x11: {  	[tilespmem:s11], [sflag:$0x3] =	stream.linear.gather [hbm4b:s8+s3], $0xC8, $0x38;
	[tilespmem:$0xFE00] =	vst v63  }
.LBB2_2:
0x12: {  	s21 =	sshll.u32 s20, $0x1  }
0x13: {  	s22 =	sadd.s32 s6, s21  }
0x14: {  	s21 =	sor.u32 $0x1, s22  }
0x15: {  	_ =	swait.ge [sflag:s12], $0xC8;
	s23 =	smul.u32 $0x19, s21  }
0x16: {  	[sflag:s12] =	ssyncset.done $0x0  }
0x17: {  	p0 =	seq.s32 s20, $0x0;
	[sflag:s12] =	ssyncadd.s32 $0xFFFFFF38;
	s23 =	sadd.s32 s1, s23  }
0x18: {  	[tilespmem:s13], [sflag:$0x4] =	stream.linear.gather [hbm4b:s23+s3], $0xC8, $0x38;
	[tilespmem:$0xFE00] =	vst v63  }
0x19: {  	s23 =	simm.s32 @!p0 $0x1  }
0x1a: {  	_ =	swait.ge @!p0 [sflag:s23], $0x6400  }
0x1b: {  	[sflag:s23] =	ssyncset.done @!p0 $0x0  }
0x1c: {  	[sflag:s23] =	ssyncadd.s32 @!p0 $0xFFFF9C00  }
0x1d: {  	v15 =	vld [tilespmem:$0x3400]  }
0x1e: {  	s24 =	simm.s32 $0x0  }
0x1f: {  	v16 =	vadd.s32 s24, v0  }
0x20: {  	v17 =	vadd.s32 s24, v2;
	vm0 =	vgt.u32 v16, $0x63  }
0x21: {  	v16 =	vsel vm0, v17, v16  }
0x22: {  	v39 =	vand.u32 $0xFFFFFF80, v16;
	v18 =	vld [tilespmem:$0x3410];
	v26 =	vshll.u32 v15, $0x7  }
0x23: {  	v40 =	vand.u32 $0x7F, v16;
	v17 =	vld [tilespmem:$0x3420];
	v16 =	vadd.s32 v26, v39  }
0x24: {  	v19 =	vld [tilespmem:$0x3440];
	v16 =	vor.u32 v40, v16  }
0x25: {  	v20 =	vld [tilespmem:$0x3450]  }
0x26: {  	v21 =	vld [tilespmem:$0x3460]  }
0x27: {  	v22 =	vld [tilespmem:$0x3470]  }
0x28: {  	v41 =	vor.u32 v40, v39;
	v23 =	vld [tilespmem:$0x3480];
	v29 =	vshll.u32 v18, $0x7  }
0x29: {  	v24 =	vadd.s32 v1, v41;
	v18 =	vadd.s32 v29, v39;
	v16 =	vld.idx.msk [tilespmem:v16+s3+$0x0], $0xffff  }
0x2a: {  	v27 =	vld [tilespmem:$0x3490];
	v18 =	vor.u32 v40, v18  }
0x2b: {  	v28 =	vld [tilespmem:$0x34A0]  }
0x2c: {  	v36 =	vld [tilespmem:$0x34B0]  }
0x2d: {  	v25 =	vld [tilespmem:$0x34B8]  }
0x2e: {  	v15 =	vld [tilespmem:$0x3430];
	v32 =	vshll.u32 v17, $0x7;
	[tilespmem:v24+s14+$0x0] =	vst.idx.msk $0xffff, v16  }
0x2f: {  	s25 =	simm.s32 $0x1;
	v17 =	vadd.s32 v32, v39;
	v24 =	vadd.s32 v3, v41;
	v18 =	vld.idx.msk [tilespmem:v18+s3+$0x0], $0xffff  }
0x30: {  	v31 =	vor.u32 v40, v17;
	v16 =	vadd.s32 s25, v0  }
0x31: {  	v30 =	vadd.s32 s25, v2;
	vm11 =	vgt.u32 v16, $0x63  }
0x32: {  	v16 =	vsel vm11, v30, v16  }
0x33: {  	v17 =	vand.u32 $0xFFFFFF80, v16  }
0x34: {  	v34 =	vshll.u32 v15, $0x7;
	v16 =	vand.u32 $0x7F, v16;
	v30 =	vadd.s32 v26, v17;
	[tilespmem:v24+s14+$0x0] =	vst.idx.msk $0xffff, v18  }
0x35: {  	v15 =	vadd.s32 v34, v39;
	v18 =	vor.u32 v16, v30;
	v30 =	vadd.s32 v4, v41;
	v24 =	vld.idx.msk [tilespmem:v31+s3+$0x0], $0xffff  }
0x36: {  	v31 =	vor.u32 v40, v15;
	_ =	sdelay $0x2  }
0x37: {  	v35 =	vshll.u32 v19, $0x7;
	v15 =	vor.u32 v16, v17  }
0x38: {  	v33 =	vadd.s32 v29, v17;
	v37 =	vadd.s32 v1, v15;
	v18 =	vld.idx.msk [tilespmem:v18+s3+$0x0], $0xffff;
	[tilespmem:v30+s14+$0x0] =	vst.idx.msk $0xffff, v24  }
0x39: {  	v47 =	vadd.s32 v5, v41;
	v19 =	vor.u32 v16, v33;
	v30 =	vadd.s32 v35, v39;
	v24 =	vld.idx.msk [tilespmem:v31+s3+$0x0], $0xffff  }
0x3a: {  	v30 =	vor.u32 v40, v30;
	_ =	sdelay $0x1  }
0x3b: {  	s26 =	simm.s32 $0x2  }
0x3c: {  	v38 =	vadd.s32 s26, v2;
	v49 =	vadd.s32 v6, v41;
	v48 =	vadd.s32 v3, v15;
	[tilespmem:v37+s14+$0x0] =	vst.idx.msk $0xffff, v18  }
0x3d: {  	v31 =	vshll.u32 v20, $0x7;
	v20 =	vadd.s32 s26, v0;
	v18 =	vld.idx.msk [tilespmem:v19+s3+$0x0], $0xffff;
	v19 =	vadd.s32 v32, v17;
	[tilespmem:v47+s14+$0x0] =	vst.idx.msk $0xffff, v24  }
0x3e: {  	vm12 =	vgt.u32 v20, $0x63;
	v24 =	vor.u32 v16, v19;
	v19 =	vadd.s32 v31, v39;
	v30 =	vld.idx.msk [tilespmem:v30+s3+$0x0], $0xffff  }
0x3f: {  	v20 =	vsel vm12, v38, v20;
	v50 =	vor.u32 v40, v19  }
0x40: {  	v19 =	vand.u32 $0xFFFFFF80, v20  }
0x41: {  	v20 =	vand.u32 $0x7F, v20;
	v42 =	vadd.s32 v26, v19  }
0x42: {  	v43 =	vadd.s32 v4, v15;
	v42 =	vor.u32 v20, v42;
	[tilespmem:v48+s14+$0x0] =	vst.idx.msk $0xffff, v18  }
0x43: {  	v37 =	vshll.u32 v21, $0x7;
	v18 =	vadd.s32 v34, v17;
	v24 =	vld.idx.msk [tilespmem:v24+s3+$0x0], $0xffff;
	[tilespmem:v49+s14+$0x0] =	vst.idx.msk $0xffff, v30  }
0x44: {  	v51 =	vadd.s32 v7, v41;
	v21 =	vor.u32 v16, v18;
	v18 =	vadd.s32 v37, v39;
	v30 =	vld.idx.msk [tilespmem:v50+s3+$0x0], $0xffff  }
0x45: {  	v44 =	vor.u32 v40, v18  }
0x46: {  	v18 =	vor.u32 v20, v19  }
0x47: {  	v52 =	vadd.s32 v29, v19;
	v45 =	vadd.s32 v1, v18;
	v42 =	vld.idx.msk [tilespmem:v42+s3+$0x0], $0xffff  }
0x48: {  	v53 =	vadd.s32 v5, v15;
	[tilespmem:v43+s14+$0x0] =	vst.idx.msk $0xffff, v24;
	v24 =	vor.u32 v20, v52  }
0x49: {  	v38 =	vshll.u32 v22, $0x7;
	v22 =	vadd.s32 v35, v17;
	v21 =	vld.idx.msk [tilespmem:v21+s3+$0x0], $0xffff;
	[tilespmem:v51+s14+$0x0] =	vst.idx.msk $0xffff, v30  }
0x4a: {  	s28 =	simm.s32 $0x3;
	v54 =	vadd.s32 v8, v41;
	v22 =	vor.u32 v16, v22;
	v30 =	vadd.s32 v38, v39;
	v33 =	vld.idx.msk [tilespmem:v44+s3+$0x0], $0xffff  }
0x4b: {  	v46 =	vadd.s32 s28, v0;
	v47 =	vor.u32 v40, v30  }
0x4c: {  	vm13 =	vgt.u32 v46, $0x63;
	v60 =	vadd.s32 v9, v41;
	v55 =	vadd.s32 v32, v19;
	[tilespmem:v45+s14+$0x0] =	vst.idx.msk $0xffff, v42  }
0x4d: {  	v56 =	vadd.s32 v3, v18;
	v30 =	vshll.u32 v23, $0x7;
	v23 =	vadd.s32 s28, v2;
	v24 =	vld.idx.msk [tilespmem:v24+s3+$0x0], $0xffff  }
0x4e: {  	[tilespmem:v53+s14+$0x0] =	vst.idx.msk $0xffff, v21;
	v21 =	vsel vm13, v23, v46;
	v23 =	vor.u32 v20, v55  }
0x4f: {  	v58 =	vadd.s32 v6, v15;
	v57 =	vadd.s32 v31, v17;
	v43 =	vld.idx.msk [tilespmem:v22+s3+$0x0], $0xffff;
	[tilespmem:v54+s14+$0x0] =	vst.idx.msk $0xffff, v33  }
0x50: {  	v42 =	vor.u32 v16, v57;
	v59 =	vadd.s32 v30, v39;
	v22 =	vand.u32 $0xFFFFFF80, v21;
	v44 =	vld.idx.msk [tilespmem:v47+s3+$0x0], $0xffff  }
0x51: {  	v49 =	vor.u32 v40, v59;
	v21 =	vand.u32 $0x7F, v21;
	v48 =	vadd.s32 v26, v22  }
0x52: {  	v61 =	vadd.s32 v34, v19;
	[tilespmem:v56+s14+$0x0] =	vst.idx.msk $0xffff, v24;
	v24 =	vor.u32 v21, v48  }
0x53: {  	v63 =	vor.u32 v20, v61;
	v50 =	vadd.s32 v4, v18;
	v61 =	vadd.s32 v5, v18;
	v62 =	vld.idx.msk [tilespmem:v23+s3+$0x0], $0xffff  }
0x54: {  	v52 =	vadd.s32 v8, v15;
	v57 =	vadd.s32 v10, v41;
	[tilespmem:v58+s14+$0x0] =	vst.idx.msk $0xffff, v43  }
0x55: {  	v54 =	vadd.s32 v7, v15;
	v23 =	vadd.s32 v37, v17;
	v42 =	vld.idx.msk [tilespmem:v42+s3+$0x0], $0xffff;
	[tilespmem:v60+s14+$0x0] =	vst.idx.msk $0xffff, v44  }
0x56: {  	v33 =	vshll.u32 v27, $0x7;
	v55 =	vor.u32 v16, v23;
	v23 =	vor.u32 v21, v22;
	v56 =	vld.idx.msk [tilespmem:v49+s3+$0x0], $0xffff  }
0x57: {  	v27 =	vshll.u32 v28, $0x7;
	v28 =	vadd.s32 v33, v39;
	v51 =	vadd.s32 v1, v23;
	v58 =	vld.idx.msk [tilespmem:v24+s3+$0x0], $0xffff  }
0x58: {  	v59 =	vadd.s32 v29, v22;
	v28 =	vor.u32 v40, v28;
	[tilespmem:v50+s14+$0x0] =	vst.idx.msk $0xffff, v62  }
0x59: {  	s29 =	simm.s32 $0x4;
	v60 =	vadd.s32 v35, v19;
	v24 =	vshll.u32 v36, $0x7;
	v36 =	vor.u32 v21, v59;
	v43 =	vld.idx.msk [tilespmem:v63+s3+$0x0], $0xffff  }
0x5a: {  	v53 =	vadd.s32 v38, v17;
	v48 =	vor.u32 v20, v60;
	v62 =	vadd.s32 s29, v0;
	[tilespmem:v54+s14+$0x0] =	vst.idx.msk $0xffff, v42  }
0x5b: {  	v59 =	vadd.s32 v11, v41;
	v63 =	vadd.s32 s29, v2;
	vm14 =	vgt.u32 v62, $0x63;
	[tilespmem:v57+s14+$0x0] =	vst.idx.msk $0xffff, v56  }
0x5c: {  	v42 =	vsel vm14, v63, v62;
	v63 =	vadd.s32 v30, v17;
	v44 =	vld.idx.msk [tilespmem:v55+s3+$0x0], $0xffff;
	[tilespmem:v51+s14+$0x0] =	vst.idx.msk $0xffff, v58  }
0x5d: {  	v57 =	vor.u32 v16, v53;
	v58 =	vadd.s32 v27, v39;
	v53 =	vadd.s32 v3, v23;
	v49 =	vld.idx.msk [tilespmem:v28+s3+$0x0], $0xffff  }
0x5e: {  	v28 =	vadd.s32 v32, v22;
	v54 =	vld.idx.msk [tilespmem:v36+s3+$0x0], $0xffff;
	[tilespmem:v61+s14+$0x0] =	vst.idx.msk $0xffff, v43;
	v43 =	vor.u32 v40, v58  }
0x5f: {  	v55 =	vadd.s32 v9, v15;
	v50 =	vor.u32 v16, v63;
	v45 =	vor.u32 v21, v28  }
0x60: {  	v63 =	vadd.s32 v33, v17;
	v51 =	vadd.s32 v12, v41;
	v61 =	vadd.s32 v6, v18;
	v60 =	vld.idx.msk [tilespmem:v48+s3+$0x0], $0xffff  }
0x61: {  	v56 =	vadd.s32 v10, v15;
	v28 =	vadd.s32 v31, v19;
	[tilespmem:v52+s14+$0x0] =	vst.idx.msk $0xffff, v44  }
0x62: {  	v36 =	vand.u32 $0xFFFFFF80, v42;
	v62 =	vor.u32 v20, v28;
	v46 =	vld.idx.msk [tilespmem:v57+s3+$0x0], $0xffff;
	[tilespmem:v59+s14+$0x0] =	vst.idx.msk $0xffff, v49  }
0x63: {  	v28 =	vand.u32 $0x7F, v42;
	v59 =	vadd.s32 v26, v36;
	[tilespmem:v53+s14+$0x0] =	vst.idx.msk $0xffff, v54;
	v43 =	vld.idx.msk [tilespmem:v43+s3+$0x0], $0xffff  }
0x64: {  	v57 =	vadd.s32 v24, v39;
	v53 =	vadd.s32 v4, v23;
	v49 =	vor.u32 v28, v59;
	v45 =	vld.idx.msk [tilespmem:v45+s3+$0x0], $0xffff  }
0x65: {  	v25 =	vshll.u32 v25, $0x7;
	v58 =	vadd.s32 v34, v22;
	[tilespmem:v61+s14+$0x0] =	vst.idx.msk $0xffff, v60;
	v60 =	vor.u32 v40, v57  }
0x66: {  	v42 =	vor.u32 v21, v58;
	v48 =	vadd.s32 v25, v39;
	v52 =	vadd.s32 v7, v18  }
0x67: {  	v39 =	vor.u32 v28, v36;
	v61 =	vadd.s32 v37, v19;
	v44 =	vld.idx.msk [tilespmem:v62+s3+$0x0], $0xffff;
	[tilespmem:v55+s14+$0x0] =	vst.idx.msk $0xffff, v46  }
0x68: {  	v62 =	vadd.s32 v29, v36;
	v54 =	vor.u32 v20, v61;
	v50 =	vld.idx.msk [tilespmem:v50+s3+$0x0], $0xffff;
	[tilespmem:v51+s14+$0x0] =	vst.idx.msk $0xffff, v43  }
0x69: {  	s30 =	simm.s32 $0x5;
	v43 =	vld.idx.msk [tilespmem:v49+s3+$0x0], $0xffff;
	v51 =	vadd.s32 v1, v39;
	[tilespmem:v53+s14+$0x0] =	vst.idx.msk $0xffff, v45;
	v45 =	vor.u32 v16, v63  }
0x6a: {  	v58 =	vadd.s32 s30, v0;
	v46 =	vor.u32 v28, v62;
	v55 =	vadd.s32 v13, v41;
	v53 =	vld.idx.msk [tilespmem:v60+s3+$0x0], $0xffff  }
0x6b: {  	v57 =	vadd.s32 v5, v23;
	v40 =	vor.u32 v40, v48;
	v60 =	vadd.s32 v35, v22;
	v42 =	vld.idx.msk [tilespmem:v42+s3+$0x0], $0xffff  }
0x6c: {  	vm15 =	vgt.u32 v58, $0x63;
	v59 =	vadd.s32 s30, v2;
	[tilespmem:v52+s14+$0x0] =	vst.idx.msk $0xffff, v44;
	v60 =	vor.u32 v21, v60  }
0x6d: {  	v61 =	vadd.s32 v38, v19;
	v49 =	vadd.s32 v8, v18;
	v47 =	vld.idx.msk [tilespmem:v54+s3+$0x0], $0xffff;
	[tilespmem:v56+s14+$0x0] =	vst.idx.msk $0xffff, v50  }
0x6e: {  	v48 =	vor.u32 v20, v61;
	v62 =	vadd.s32 v27, v17;
	[tilespmem:v51+s14+$0x0] =	vst.idx.msk $0xffff, v43;
	v45 =	vld.idx.msk [tilespmem:v45+s3+$0x0], $0xffff  }
0x6f: {  	v41 =	vadd.s32 v14, v41;
	v63 =	vadd.s32 v32, v36;
	v51 =	vld.idx.msk [tilespmem:v46+s3+$0x0], $0xffff;
	[tilespmem:v55+s14+$0x0] =	vst.idx.msk $0xffff, v53  }
0x70: {  	s31 =	sadd.s32 $0x2, s22;
	v52 =	vadd.s32 v3, v39;
	v46 =	vadd.s32 v11, v15;
	[tilespmem:v57+s14+$0x0] =	vst.idx.msk $0xffff, v42;
	v40 =	vld.idx.msk [tilespmem:v40+s3+$0x0], $0xffff  }
0x71: {  	s24 =	simm.s32 $0x6;
	s23 =	smin.u32 s31, s7;
	v44 =	vor.u32 v16, v62;
	v42 =	vsel vm15, v59, v58;
	v53 =	vor.u32 v28, v63;
	v50 =	vld.idx.msk [tilespmem:v60+s3+$0x0], $0xffff  }
.LBB2_3:
0x72: {  	v43 =	vadd.s32 v6, v23;
	v54 =	vadd.s32 v31, v22;
	[tilespmem:v49+s14+$0x0] =	vst.idx.msk $0xffff, v47;
	v49 =	vmov v28  }
0x73: {  	p1 =	sne.s32 s24, $0x63;
	v28 =	vand.u32 $0x7F, v42;
	v47 =	vmovc v36;
	v55 =	vmovc v15;
	v15 =	vmov v18;
	v18 =	vmov v23  }
0x74: {  	v23 =	vadd.s32 v30, v19;
	v56 =	vadd.s32 v24, v17;
	v54 =	vor.u32 v21, v54;
	v48 =	vld.idx.msk [tilespmem:v48+s3+$0x0], $0xffff  }
0x75: {  	v36 =	vand.u32 $0xFFFFFF80, v42;
	v42 =	vadd.s32 v34, v47;
	v57 =	vadd.s32 v9, v15;
	[tilespmem:v46+s14+$0x0] =	vst.idx.msk $0xffff, v45  }
0x76: {  	v45 =	vadd.s32 v26, v36;
	v46 =	vor.u32 v20, v23;
	[tilespmem:v52+s14+$0x0] =	vst.idx.msk $0xffff, v51;
	v44 =	vld.idx.msk [tilespmem:v44+s3+$0x0], $0xffff  }
0x77: {  	v45 =	vor.u32 v28, v45;
	v52 =	vadd.s32 v12, v55;
	v51 =	vld.idx.msk [tilespmem:v53+s3+$0x0], $0xffff;
	[tilespmem:v41+s14+$0x0] =	vst.idx.msk $0xffff, v40  }
0x78: {  	v23 =	vmov v39;
	v40 =	vadd.s32 v4, v39;
	v41 =	vor.u32 v16, v56;
	[tilespmem:v43+s14+$0x0] =	vst.idx.msk $0xffff, v50  }
0x79: {  	v42 =	vor.u32 v49, v42;
	v50 =	vadd.s32 v25, v17;
	v17 =	vmovc v19;
	v19 =	vmov v22;
	v43 =	vld.idx.msk [tilespmem:v54+s3+$0x0], $0xffff  }
0x7a: {  	v53 =	vadd.s32 v7, v18;
	v22 =	vmov v47;
	v39 =	vadd.s32 v37, v19;
	[tilespmem:v57+s14+$0x0] =	vst.idx.msk $0xffff, v48  }
0x7b: {  	v47 =	vadd.s32 v29, v36;
	v54 =	vadd.s32 v33, v17;
	v48 =	vor.u32 v21, v39;
	v46 =	vld.idx.msk [tilespmem:v46+s3+$0x0], $0xffff  }
0x7c: {  	v56 =	vadd.s32 v10, v15;
	v39 =	vor.u32 v28, v36;
	v45 =	vld.idx.msk [tilespmem:v45+s3+$0x0], $0xffff;
	[tilespmem:v52+s14+$0x0] =	vst.idx.msk $0xffff, v44  }
0x7d: {  	v44 =	vadd.s32 v1, v39;
	[tilespmem:v40+s14+$0x0] =	vst.idx.msk $0xffff, v51;
	v40 =	vor.u32 v20, v54;
	v41 =	vld.idx.msk [tilespmem:v41+s3+$0x0], $0xffff  }
0x7e: {  	v52 =	vadd.s32 v13, v55;
	v51 =	vor.u32 v28, v47;
	v47 =	vadd.s32 v35, v22;
	v42 =	vld.idx.msk [tilespmem:v42+s3+$0x0], $0xffff  }
0x7f: {  	v54 =	vadd.s32 v5, v23;
	[tilespmem:v53+s14+$0x0] =	vst.idx.msk $0xffff, v43;
	v43 =	vor.u32 v16, v50;
	v16 =	vmov v20  }
0x80: {  	v57 =	vor.u32 v49, v47;
	v50 =	vadd.s32 s24, v0;
	v53 =	vadd.s32 s24, v2;
	v20 =	vmovc v21;
	v21 =	vmovc v49;
	v47 =	vld.idx.msk [tilespmem:v48+s3+$0x0], $0xffff  }
.Ltmp0:
0x81: {  	v49 =	vadd.s32 v8, v18;
	vm0 =	vgt.u32 v50, $0x63;
	v48 =	vadd.s32 v38, v19;
	[tilespmem:v56+s14+$0x0] =	vst.idx.msk $0xffff, v46;
	(pc) =	sbr.rel @p1 .LBB2_3-.Ltmp0, $4  }
0x82: {  	v48 =	vor.u32 v20, v48;
	[tilespmem:v44+s14+$0x0] =	vst.idx.msk $0xffff, v45;
	v45 =	vld.idx.msk [tilespmem:v40+s3+$0x0], $0xffff;
	v40 =	vadd.s32 v27, v17  }
0x83: {  	v56 =	vadd.s32 v32, v36;
	v46 =	vadd.s32 v11, v15;
	v51 =	vld.idx.msk [tilespmem:v51+s3+$0x0], $0xffff;
	[tilespmem:v52+s14+$0x0] =	vst.idx.msk $0xffff, v41  }
0x84: {  	v52 =	vadd.s32 v3, v39;
	v44 =	vor.u32 v16, v40;
	[tilespmem:v54+s14+$0x0] =	vst.idx.msk $0xffff, v42;
	v40 =	vld.idx.msk [tilespmem:v43+s3+$0x0], $0xffff  }
0x85: {  	s24 =	sadd.s32 $0x1, s24;
	v41 =	vadd.s32 v14, v55;
	v42 =	vsel vm0, v53, v50;
	v53 =	vor.u32 v28, v56;
	v50 =	vld.idx.msk [tilespmem:v57+s3+$0x0], $0xffff  }
0x86: {  	v43 =	vand.u32 $0xFFFFFF80, v42  }
0x87: {  	v42 =	vand.u32 $0x7F, v42;
	v26 =	vadd.s32 v26, v43  }
0x88: {  	v54 =	vor.u32 v42, v26;
	_ =	sdelay $0x3  }
0x89: {  	v26 =	vor.u32 v42, v43  }
0x8a: {  	v29 =	vadd.s32 v29, v43;
	v55 =	vadd.s32 v1, v26;
	v54 =	vld.idx.msk [tilespmem:v54+s3+$0x0], $0xffff  }
0x8b: {  	v29 =	vor.u32 v42, v29;
	_ =	sdelay $0x3  }
0x8c: {  	[tilespmem:v55+s14+$0x0] =	vst.idx.msk $0xffff, v54  }
0x8d: {  	v32 =	vadd.s32 v32, v43;
	v63 =	vadd.s32 v3, v26;
	v29 =	vld.idx.msk [tilespmem:v29+s3+$0x0], $0xffff  }
0x8e: {  	v32 =	vor.u32 v42, v32;
	_ =	sdelay $0x2  }
0x8f: {  	[tilespmem:v52+s14+$0x0] =	vst.idx.msk $0xffff, v51  }
0x90: {  	v57 =	vadd.s32 v34, v36;
	v58 =	vadd.s32 v4, v39;
	v52 =	vld.idx.msk [tilespmem:v53+s3+$0x0], $0xffff;
	[tilespmem:v63+s14+$0x0] =	vst.idx.msk $0xffff, v29  }
0x91: {  	v59 =	vadd.s32 v34, v43;
	v60 =	vadd.s32 v4, v26;
	v29 =	vor.u32 v28, v57;
	v32 =	vld.idx.msk [tilespmem:v32+s3+$0x0], $0xffff  }
0x92: {  	v34 =	vor.u32 v42, v59;
	_ =	sdelay $0x2  }
0x93: {  	[tilespmem:v58+s14+$0x0] =	vst.idx.msk $0xffff, v52  }
0x94: {  	v61 =	vadd.s32 v35, v36;
	v62 =	vadd.s32 v5, v39;
	v29 =	vld.idx.msk [tilespmem:v29+s3+$0x0], $0xffff;
	[tilespmem:v60+s14+$0x0] =	vst.idx.msk $0xffff, v32  }
0x95: {  	v56 =	vadd.s32 v35, v43;
	v63 =	vor.u32 v28, v61;
	v57 =	vadd.s32 v5, v26;
	v34 =	vld.idx.msk [tilespmem:v34+s3+$0x0], $0xffff  }
0x96: {  	v35 =	vor.u32 v42, v56;
	_ =	sdelay $0x1  }
0x97: {  	v58 =	vadd.s32 v31, v22  }
0x98: {  	v59 =	vadd.s32 v6, v23;
	v52 =	vor.u32 v21, v58;
	[tilespmem:v62+s14+$0x0] =	vst.idx.msk $0xffff, v29  }
0x99: {  	v61 =	vadd.s32 v31, v36;
	v60 =	vadd.s32 v6, v39;
	v29 =	vld.idx.msk [tilespmem:v63+s3+$0x0], $0xffff;
	[tilespmem:v57+s14+$0x0] =	vst.idx.msk $0xffff, v34  }
0x9a: {  	v31 =	vadd.s32 v31, v43;
	v62 =	vor.u32 v28, v61;
	v63 =	vadd.s32 v6, v26;
	v35 =	vld.idx.msk [tilespmem:v35+s3+$0x0], $0xffff  }
0x9b: {  	v31 =	vor.u32 v42, v31;
	_ =	sdelay $0x1  }
0x9c: {  	v56 =	vadd.s32 v37, v22;
	[tilespmem:v59+s14+$0x0] =	vst.idx.msk $0xffff, v50  }
0x9d: {  	v50 =	vor.u32 v21, v56;
	v52 =	vld.idx.msk [tilespmem:v52+s3+$0x0], $0xffff;
	v57 =	vadd.s32 v7, v23;
	[tilespmem:v60+s14+$0x0] =	vst.idx.msk $0xffff, v29  }
0x9e: {  	v59 =	vadd.s32 v37, v36;
	v58 =	vadd.s32 v7, v39;
	v29 =	vld.idx.msk [tilespmem:v62+s3+$0x0], $0xffff;
	[tilespmem:v63+s14+$0x0] =	vst.idx.msk $0xffff, v35  }
0x9f: {  	v61 =	vadd.s32 v37, v43;
	v34 =	vor.u32 v28, v59;
	v60 =	vadd.s32 v7, v26;
	v31 =	vld.idx.msk [tilespmem:v31+s3+$0x0], $0xffff  }
0xa0: {  	v37 =	vor.u32 v42, v61;
	_ =	sdelay $0x1  }
0xa1: {  	v56 =	vadd.s32 v38, v36;
	[tilespmem:v57+s14+$0x0] =	vst.idx.msk $0xffff, v52  }
0xa2: {  	v62 =	vadd.s32 v38, v22;
	v50 =	vld.idx.msk [tilespmem:v50+s3+$0x0], $0xffff;
	v63 =	vadd.s32 v8, v23;
	[tilespmem:v58+s14+$0x0] =	vst.idx.msk $0xffff, v29  }
0xa3: {  	v55 =	vadd.s32 v8, v39;
	v51 =	vor.u32 v21, v62;
	v29 =	vld.idx.msk [tilespmem:v34+s3+$0x0], $0xffff;
	[tilespmem:v60+s14+$0x0] =	vst.idx.msk $0xffff, v31  }
0xa4: {  	v59 =	vadd.s32 v38, v43;
	v58 =	vadd.s32 v8, v26;
	v31 =	vor.u32 v28, v56;
	v57 =	vld.idx.msk [tilespmem:v37+s3+$0x0], $0xffff  }
0xa5: {  	[tilespmem:v49+s14+$0x0] =	vst.idx.msk $0xffff, v47;
	v37 =	vor.u32 v42, v59  }
0xa6: {  	v48 =	vld.idx.msk [tilespmem:v48+s3+$0x0], $0xffff;
	[tilespmem:v46+s14+$0x0] =	vst.idx.msk $0xffff, v45;
	v53 =	vadd.s32 v9, v39;
	v61 =	vadd.s32 v9, v18  }
0xa7: {  	v62 =	vadd.s32 v30, v22;
	[tilespmem:v63+s14+$0x0] =	vst.idx.msk $0xffff, v50;
	v60 =	vadd.s32 v30, v19  }
0xa8: {  	v63 =	vadd.s32 v9, v23;
	v50 =	vld.idx.msk [tilespmem:v51+s3+$0x0], $0xffff;
	v38 =	vor.u32 v20, v60;
	[tilespmem:v55+s14+$0x0] =	vst.idx.msk $0xffff, v29  }
0xa9: {  	v49 =	vor.u32 v21, v62;
	v29 =	vld.idx.msk [tilespmem:v31+s3+$0x0], $0xffff;
	v31 =	vadd.s32 v30, v36;
	[tilespmem:v58+s14+$0x0] =	vst.idx.msk $0xffff, v57  }
0xaa: {  	v54 =	vadd.s32 v9, v26;
	v30 =	vadd.s32 v30, v43;
	v31 =	vor.u32 v28, v31;
	v34 =	vld.idx.msk [tilespmem:v37+s3+$0x0], $0xffff  }
0xab: {  	[tilespmem:v61+s14+$0x0] =	vst.idx.msk $0xffff, v48;
	v30 =	vor.u32 v42, v30  }
0xac: {  	v61 =	vadd.s32 v10, v39;
	v52 =	vadd.s32 v12, v15;
	v56 =	vadd.s32 v33, v19  }
0xad: {  	v45 =	vor.u32 v20, v56;
	[tilespmem:v63+s14+$0x0] =	vst.idx.msk $0xffff, v50;
	v57 =	vadd.s32 v10, v18;
	v38 =	vld.idx.msk [tilespmem:v38+s3+$0x0], $0xffff  }
0xae: {  	v60 =	vadd.s32 v10, v23;
	v58 =	vadd.s32 v33, v22;
	v59 =	vld.idx.msk [tilespmem:v49+s3+$0x0], $0xffff;
	[tilespmem:v53+s14+$0x0] =	vst.idx.msk $0xffff, v29  }
0xaf: {  	v47 =	vor.u32 v21, v58;
	v29 =	vld.idx.msk [tilespmem:v31+s3+$0x0], $0xffff;
	v31 =	vadd.s32 v33, v36;
	[tilespmem:v54+s14+$0x0] =	vst.idx.msk $0xffff, v34  }
0xb0: {  	v62 =	vadd.s32 v33, v43;
	v63 =	vadd.s32 v10, v26;
	v31 =	vor.u32 v28, v31;
	v30 =	vld.idx.msk [tilespmem:v30+s3+$0x0], $0xffff  }
0xb1: {  	v56 =	vadd.s32 v11, v23;
	v55 =	vadd.s32 v24, v17;
	v33 =	vor.u32 v42, v62  }
0xb2: {  	v44 =	vld.idx.msk [tilespmem:v44+s3+$0x0], $0xffff;
	v37 =	vor.u32 v16, v55;
	v55 =	vadd.s32 v27, v22;
	[tilespmem:v57+s14+$0x0] =	vst.idx.msk $0xffff, v38  }
0xb3: {  	v53 =	vadd.s32 v27, v19;
	[tilespmem:v60+s14+$0x0] =	vst.idx.msk $0xffff, v59;
	v54 =	vadd.s32 v11, v18;
	v45 =	vld.idx.msk [tilespmem:v45+s3+$0x0], $0xffff  }
0xb4: {  	v48 =	vor.u32 v21, v55;
	v38 =	vor.u32 v20, v53;
	v47 =	vld.idx.msk [tilespmem:v47+s3+$0x0], $0xffff;
	[tilespmem:v61+s14+$0x0] =	vst.idx.msk $0xffff, v29  }
0xb5: {  	v57 =	vadd.s32 v11, v39;
	v29 =	vld.idx.msk [tilespmem:v31+s3+$0x0], $0xffff;
	v31 =	vadd.s32 v27, v36;
	[tilespmem:v63+s14+$0x0] =	vst.idx.msk $0xffff, v30  }
0xb6: {  	v58 =	vadd.s32 v11, v26;
	v27 =	vadd.s32 v27, v43;
	v30 =	vor.u32 v28, v31;
	v31 =	vld.idx.msk [tilespmem:v33+s3+$0x0], $0xffff  }
0xb7: {  	[tilespmem:v52+s14+$0x0] =	vst.idx.msk $0xffff, v44;
	v17 =	vadd.s32 v25, v17;
	v27 =	vor.u32 v42, v27  }
0xb8: {  	v59 =	vadd.s32 v24, v19;
	v60 =	vadd.s32 v12, v18;
	[tilespmem:v54+s14+$0x0] =	vst.idx.msk $0xffff, v45  }
0xb9: {  	v34 =	vor.u32 v20, v59;
	v61 =	vadd.s32 v24, v22;
	[tilespmem:v56+s14+$0x0] =	vst.idx.msk $0xffff, v47;
	v38 =	vld.idx.msk [tilespmem:v38+s3+$0x0], $0xffff  }
0xba: {  	v44 =	vor.u32 v21, v61;
	v62 =	vld.idx.msk [tilespmem:v48+s3+$0x0], $0xffff;
	v63 =	vadd.s32 v12, v23;
	[tilespmem:v57+s14+$0x0] =	vst.idx.msk $0xffff, v29  }
0xbb: {  	v48 =	vadd.s32 v12, v39;
	v29 =	vadd.s32 v24, v36;
	v30 =	vld.idx.msk [tilespmem:v30+s3+$0x0], $0xffff;
	[tilespmem:v58+s14+$0x0] =	vst.idx.msk $0xffff, v31  }
0xbc: {  	v24 =	vadd.s32 v24, v43;
	v29 =	vor.u32 v28, v29;
	v31 =	vadd.s32 v12, v26;
	v27 =	vld.idx.msk [tilespmem:v27+s3+$0x0], $0xffff  }
0xbd: {  	v50 =	vadd.s32 v13, v18;
	v16 =	vor.u32 v16, v17;
	v17 =	vor.u32 v42, v24  }
0xbe: {  	v49 =	vadd.s32 v13, v15;
	v19 =	vadd.s32 v25, v19;
	v24 =	vld.idx.msk [tilespmem:v37+s3+$0x0], $0xffff;
	[tilespmem:v60+s14+$0x0] =	vst.idx.msk $0xffff, v38  }
0xbf: {  	v19 =	vor.u32 v20, v19;
	v20 =	vadd.s32 v25, v22;
	[tilespmem:v63+s14+$0x0] =	vst.idx.msk $0xffff, v62;
	v34 =	vld.idx.msk [tilespmem:v34+s3+$0x0], $0xffff  }
0xc0: {  	v51 =	vadd.s32 v13, v23;
	v20 =	vor.u32 v21, v20;
	v22 =	vld.idx.msk [tilespmem:v44+s3+$0x0], $0xffff;
	[tilespmem:v48+s14+$0x0] =	vst.idx.msk $0xffff, v30  }
0xc1: {  	v21 =	vadd.s32 v25, v36;
	v30 =	vadd.s32 v13, v39;
	v29 =	vld.idx.msk [tilespmem:v29+s3+$0x0], $0xffff;
	[tilespmem:v31+s14+$0x0] =	vst.idx.msk $0xffff, v27  }
0xc2: {  	v25 =	vadd.s32 v25, v43;
	v21 =	vor.u32 v28, v21;
	v27 =	vadd.s32 v13, v26;
	v17 =	vld.idx.msk [tilespmem:v17+s3+$0x0], $0xffff  }
0xc3: {  	[tilespmem:v49+s14+$0x0] =	vst.idx.msk $0xffff, v24;
	v24 =	vor.u32 v42, v25  }
0xc4: {  	v15 =	vadd.s32 v14, v15;
	v16 =	vld.idx.msk [tilespmem:v16+s3+$0x0], $0xffff;
	[tilespmem:v50+s14+$0x0] =	vst.idx.msk $0xffff, v34  }
0xc5: {  	v18 =	vadd.s32 v14, v18;
	[tilespmem:v51+s14+$0x0] =	vst.idx.msk $0xffff, v22;
	v19 =	vld.idx.msk [tilespmem:v19+s3+$0x0], $0xffff  }
0xc6: {  	v22 =	vadd.s32 v14, v23;
	v20 =	vld.idx.msk [tilespmem:v20+s3+$0x0], $0xffff;
	[tilespmem:v30+s14+$0x0] =	vst.idx.msk $0xffff, v29  }
0xc7: {  	v23 =	vadd.s32 v14, v39;
	v21 =	vld.idx.msk [tilespmem:v21+s3+$0x0], $0xffff;
	[tilespmem:v27+s14+$0x0] =	vst.idx.msk $0xffff, v17  }
0xc8: {  	[tilespmem:v41+s14+$0x0] =	vst.idx.msk $0xffff, v40;
	v17 =	vld.idx.msk [tilespmem:v24+s3+$0x0], $0xffff;
	v24 =	vadd.s32 v14, v26  }
0xc9: {  	[tilespmem:v15+s14+$0x0] =	vst.idx.msk $0xffff, v16  }
0xca: {  	[tilespmem:v18+s14+$0x0] =	vst.idx.msk $0xffff, v19  }
0xcb: {  	s22 =	smul.u32 $0xC80, s22;
	[tilespmem:v22+s14+$0x0] =	vst.idx.msk $0xffff, v20  }
0xcc: {  	[tilespmem:v23+s14+$0x0] =	vst.idx.msk $0xffff, v21  }
0xcd: {  	s22 =	sadd.s32 s5, s22;
	[tilespmem:v24+s14+$0x0] =	vst.idx.msk $0xffff, v17  }
0xce: {  	[hbm4b:s22+s3] =	stream.linear.scatter [tilespmem:s14], [sflag:$0x1], $0x6400, $0x38;
	[tilespmem:$0xFE00] =	vst v63  }
0xcf: {  	s24 =	smul.u32 $0x19, s23;
	_ =	swait.ge [sflag:s15], $0xC8  }
0xd0: {  	[sflag:s15] =	ssyncset.done $0x0  }
0xd1: {  	s22 =	sadd.s32 s1, s24;
	[sflag:s15] =	ssyncadd.s32 $0xFFFFFF38  }
0xd2: {  	[tilespmem:s11], [sflag:$0x3] =	stream.linear.gather [hbm4b:s22+s3], $0xC8, $0x38;
	[tilespmem:$0xFE00] =	vst v63  }
0xd3: {  	s22 =	simm.s32 @!p0 $0x2  }
0xd4: {  	_ =	swait.ge @!p0 [sflag:s22], $0x6400  }
0xd5: {  	[sflag:s22] =	ssyncset.done @!p0 $0x0  }
0xd6: {  	[sflag:s22] =	ssyncadd.s32 @!p0 $0xFFFF9C00  }
0xd7: {  	v15 =	vld [tilespmem:$0x3500]  }
0xd8: {  	s25 =	simm.s32 $0x0  }
0xd9: {  	v16 =	vadd.s32 s25, v0  }
0xda: {  	vm0 =	vgt.u32 v16, $0x63;
	v17 =	vadd.s32 s25, v2  }
0xdb: {  	v16 =	vsel vm0, v17, v16  }
0xdc: {  	v39 =	vand.u32 $0xFFFFFF80, v16;
	v18 =	vld [tilespmem:$0x3510];
	v26 =	vshll.u32 v15, $0x7  }
0xdd: {  	v40 =	vand.u32 $0x7F, v16;
	v17 =	vld [tilespmem:$0x3520];
	v16 =	vadd.s32 v26, v39  }
0xde: {  	v19 =	vld [tilespmem:$0x3540];
	v16 =	vor.u32 v40, v16  }
0xdf: {  	v20 =	vld [tilespmem:$0x3550]  }
0xe0: {  	v21 =	vld [tilespmem:$0x3560]  }
0xe1: {  	v22 =	vld [tilespmem:$0x3570]  }
0xe2: {  	v41 =	vor.u32 v40, v39;
	v23 =	vld [tilespmem:$0x3580];
	v29 =	vshll.u32 v18, $0x7  }
0xe3: {  	v24 =	vadd.s32 v1, v41;
	v18 =	vadd.s32 v29, v39;
	v16 =	vld.idx.msk [tilespmem:v16+s3+$0x0], $0xffff  }
0xe4: {  	v27 =	vld [tilespmem:$0x3590];
	v18 =	vor.u32 v40, v18  }
0xe5: {  	v28 =	vld [tilespmem:$0x35A0]  }
0xe6: {  	v36 =	vld [tilespmem:$0x35B0]  }
0xe7: {  	v25 =	vld [tilespmem:$0x35B8]  }
0xe8: {  	s26 =	simm.s32 $0x1;
	v15 =	vld [tilespmem:$0x3530];
	v32 =	vshll.u32 v17, $0x7;
	[tilespmem:v24+s16+$0x0] =	vst.idx.msk $0xffff, v16  }
0xe9: {  	v17 =	vadd.s32 v32, v39;
	v16 =	vadd.s32 s26, v0;
	v24 =	vadd.s32 v3, v41;
	v18 =	vld.idx.msk [tilespmem:v18+s3+$0x0], $0xffff  }
0xea: {  	v30 =	vadd.s32 s26, v2;
	v31 =	vor.u32 v40, v17;
	vm11 =	vgt.u32 v16, $0x63  }
0xeb: {  	v16 =	vsel vm11, v30, v16  }
0xec: {  	v17 =	vand.u32 $0xFFFFFF80, v16  }
0xed: {  	v16 =	vand.u32 $0x7F, v16;
	v30 =	vadd.s32 v26, v17  }
0xee: {  	v34 =	vshll.u32 v15, $0x7;
	[tilespmem:v24+s16+$0x0] =	vst.idx.msk $0xffff, v18;
	v18 =	vor.u32 v16, v30  }
0xef: {  	v15 =	vadd.s32 v34, v39;
	v30 =	vadd.s32 v4, v41;
	v24 =	vld.idx.msk [tilespmem:v31+s3+$0x0], $0xffff  }
0xf0: {  	v31 =	vor.u32 v40, v15;
	_ =	sdelay $0x1  }
0xf1: {  	v15 =	vor.u32 v16, v17  }
0xf2: {  	v52 =	vadd.s32 v29, v17;
	v53 =	vadd.s32 v1, v15;
	v18 =	vld.idx.msk [tilespmem:v18+s3+$0x0], $0xffff  }
0xf3: {  	v35 =	vshll.u32 v19, $0x7;
	v19 =	vor.u32 v16, v52;
	[tilespmem:v30+s16+$0x0] =	vst.idx.msk $0xffff, v24  }
0xf4: {  	v54 =	vadd.s32 v5, v41;
	v30 =	vadd.s32 v35, v39;
	v24 =	vld.idx.msk [tilespmem:v31+s3+$0x0], $0xffff  }
0xf5: {  	v30 =	vor.u32 v40, v30;
	_ =	sdelay $0x1  }
0xf6: {  	s28 =	simm.s32 $0x2;
	v55 =	vadd.s32 v3, v15;
	[tilespmem:v53+s16+$0x0] =	vst.idx.msk $0xffff, v18  }
0xf7: {  	v31 =	vshll.u32 v20, $0x7;
	v20 =	vadd.s32 s28, v0;
	v18 =	vld.idx.msk [tilespmem:v19+s3+$0x0], $0xffff;
	v19 =	vadd.s32 v32, v17  }
0xf8: {  	v56 =	vadd.s32 s28, v2;
	vm12 =	vgt.u32 v20, $0x63;
	[tilespmem:v54+s16+$0x0] =	vst.idx.msk $0xffff, v24;
	v24 =	vor.u32 v16, v19  }
0xf9: {  	v57 =	vadd.s32 v6, v41;
	v20 =	vsel vm12, v56, v20;
	v19 =	vadd.s32 v31, v39;
	v30 =	vld.idx.msk [tilespmem:v30+s3+$0x0], $0xffff  }
0xfa: {  	v58 =	vor.u32 v40, v19;
	v19 =	vand.u32 $0xFFFFFF80, v20  }
0xfb: {  	v20 =	vand.u32 $0x7F, v20;
	v59 =	vadd.s32 v26, v19  }
0xfc: {  	v42 =	vor.u32 v20, v59;
	[tilespmem:v55+s16+$0x0] =	vst.idx.msk $0xffff, v18  }
0xfd: {  	v60 =	vadd.s32 v4, v15;
	v18 =	vadd.s32 v34, v17;
	v24 =	vld.idx.msk [tilespmem:v24+s3+$0x0], $0xffff  }
0xfe: {  	v37 =	vshll.u32 v21, $0x7;
	v21 =	vor.u32 v16, v18;
	[tilespmem:v57+s16+$0x0] =	vst.idx.msk $0xffff, v30  }
0xff: {  	v61 =	vadd.s32 v7, v41;
	v18 =	vadd.s32 v37, v39;
	v30 =	vld.idx.msk [tilespmem:v58+s3+$0x0], $0xffff  }
0x100: {  	v62 =	vor.u32 v40, v18;
	v18 =	vor.u32 v20, v19  }
0x101: {  	v63 =	vadd.s32 v29, v19;
	v48 =	vadd.s32 v1, v18;
	v42 =	vld.idx.msk [tilespmem:v42+s3+$0x0], $0xffff  }
0x102: {  	[tilespmem:v60+s16+$0x0] =	vst.idx.msk $0xffff, v24;
	v24 =	vor.u32 v20, v63  }
0x103: {  	s29 =	simm.s32 $0x3;
	v49 =	vadd.s32 v5, v15;
	v21 =	vld.idx.msk [tilespmem:v21+s3+$0x0], $0xffff  }
0x104: {  	v51 =	vadd.s32 s29, v0;
	v38 =	vshll.u32 v22, $0x7;
	v22 =	vadd.s32 v35, v17;
	[tilespmem:v61+s16+$0x0] =	vst.idx.msk $0xffff, v30  }
0x105: {  	v50 =	vadd.s32 v8, v41;
	v22 =	vor.u32 v16, v22;
	v30 =	vadd.s32 v38, v39;
	v33 =	vld.idx.msk [tilespmem:v62+s3+$0x0], $0xffff  }
0x106: {  	vm13 =	vgt.u32 v51, $0x63;
	v53 =	vadd.s32 v32, v19;
	v52 =	vor.u32 v40, v30;
	[tilespmem:v48+s16+$0x0] =	vst.idx.msk $0xffff, v42  }
0x107: {  	v54 =	vadd.s32 v3, v18;
	v30 =	vshll.u32 v23, $0x7;
	v23 =	vadd.s32 s29, v2;
	v24 =	vld.idx.msk [tilespmem:v24+s3+$0x0], $0xffff  }
0x108: {  	[tilespmem:v49+s16+$0x0] =	vst.idx.msk $0xffff, v21;
	v21 =	vsel vm13, v23, v51;
	v23 =	vor.u32 v20, v53  }
0x109: {  	v56 =	vadd.s32 v6, v15  }
0x10a: {  	v55 =	vadd.s32 v31, v17;
	v58 =	vadd.s32 v9, v41;
	v43 =	vld.idx.msk [tilespmem:v22+s3+$0x0], $0xffff;
	[tilespmem:v50+s16+$0x0] =	vst.idx.msk $0xffff, v33  }
0x10b: {  	v42 =	vor.u32 v16, v55;
	v57 =	vadd.s32 v30, v39;
	v22 =	vand.u32 $0xFFFFFF80, v21;
	v44 =	vld.idx.msk [tilespmem:v52+s3+$0x0], $0xffff  }
0x10c: {  	v60 =	vor.u32 v40, v57;
	v21 =	vand.u32 $0x7F, v21;
	v59 =	vadd.s32 v26, v22;
	[tilespmem:v54+s16+$0x0] =	vst.idx.msk $0xffff, v24  }
0x10d: {  	v63 =	vadd.s32 v4, v18;
	v61 =	vadd.s32 v34, v19;
	v24 =	vor.u32 v21, v59;
	v62 =	vld.idx.msk [tilespmem:v23+s3+$0x0], $0xffff  }
0x10e: {  	v47 =	vadd.s32 v10, v41;
	v33 =	vshll.u32 v27, $0x7;
	v54 =	vor.u32 v20, v61  }
0x10f: {  	v55 =	vadd.s32 v7, v15;
	v27 =	vshll.u32 v28, $0x7;
	v28 =	vadd.s32 v33, v39;
	[tilespmem:v56+s16+$0x0] =	vst.idx.msk $0xffff, v43  }
0x110: {  	v28 =	vor.u32 v40, v28;
	v23 =	vadd.s32 v37, v17;
	v42 =	vld.idx.msk [tilespmem:v42+s3+$0x0], $0xffff;
	[tilespmem:v58+s16+$0x0] =	vst.idx.msk $0xffff, v44  }
0x111: {  	v59 =	vadd.s32 v35, v19;
	v56 =	vor.u32 v16, v23;
	v23 =	vor.u32 v21, v22;
	v46 =	vld.idx.msk [tilespmem:v60+s3+$0x0], $0xffff  }
0x112: {  	v57 =	vadd.s32 v1, v23;
	v58 =	vadd.s32 v29, v22;
	v49 =	vld.idx.msk [tilespmem:v24+s3+$0x0], $0xffff;
	[tilespmem:v63+s16+$0x0] =	vst.idx.msk $0xffff, v62  }
0x113: {  	v24 =	vshll.u32 v36, $0x7;
	v36 =	vor.u32 v21, v58;
	v60 =	vadd.s32 v5, v18;
	v43 =	vld.idx.msk [tilespmem:v54+s3+$0x0], $0xffff  }
0x114: {  	s30 =	simm.s32 $0x4;
	v51 =	vadd.s32 v12, v41;
	v48 =	vor.u32 v20, v59;
	v59 =	vadd.s32 v11, v41  }
0x115: {  	v61 =	vadd.s32 s30, v0;
	v53 =	vadd.s32 v3, v23;
	v58 =	vadd.s32 v27, v39;
	[tilespmem:v55+s16+$0x0] =	vst.idx.msk $0xffff, v42  }
0x116: {  	v63 =	vadd.s32 v8, v15;
	v44 =	vld.idx.msk [tilespmem:v56+s3+$0x0], $0xffff;
	v56 =	vadd.s32 v38, v17;
	[tilespmem:v47+s16+$0x0] =	vst.idx.msk $0xffff, v46  }
0x117: {  	vm14 =	vgt.u32 v61, $0x63;
	v62 =	vadd.s32 s30, v2;
	[tilespmem:v57+s16+$0x0] =	vst.idx.msk $0xffff, v49;
	v57 =	vor.u32 v16, v56;
	v49 =	vld.idx.msk [tilespmem:v28+s3+$0x0], $0xffff  }
0x118: {  	v28 =	vadd.s32 v32, v22;
	v54 =	vld.idx.msk [tilespmem:v36+s3+$0x0], $0xffff;
	[tilespmem:v60+s16+$0x0] =	vst.idx.msk $0xffff, v43;
	v43 =	vor.u32 v40, v58  }
0x119: {  	v42 =	vsel vm14, v62, v61;
	v62 =	vadd.s32 v30, v17;
	v45 =	vor.u32 v21, v28  }
0x11a: {  	v52 =	vadd.s32 v7, v18;
	v50 =	vor.u32 v16, v62;
	v60 =	vadd.s32 v6, v18;
	v47 =	vld.idx.msk [tilespmem:v48+s3+$0x0], $0xffff  }
0x11b: {  	v56 =	vadd.s32 v10, v15;
	v36 =	vand.u32 $0xFFFFFF80, v42;
	v28 =	vadd.s32 v31, v19;
	[tilespmem:v63+s16+$0x0] =	vst.idx.msk $0xffff, v44  }
0x11c: {  	v61 =	vor.u32 v20, v28;
	v46 =	vld.idx.msk [tilespmem:v57+s3+$0x0], $0xffff;
	v57 =	vadd.s32 v9, v15;
	[tilespmem:v59+s16+$0x0] =	vst.idx.msk $0xffff, v49  }
0x11d: {  	v28 =	vand.u32 $0x7F, v42;
	v59 =	vadd.s32 v26, v36;
	[tilespmem:v53+s16+$0x0] =	vst.idx.msk $0xffff, v54;
	v43 =	vld.idx.msk [tilespmem:v43+s3+$0x0], $0xffff  }
0x11e: {  	v63 =	vadd.s32 v24, v39;
	v53 =	vadd.s32 v4, v23;
	v49 =	vor.u32 v28, v59;
	v45 =	vld.idx.msk [tilespmem:v45+s3+$0x0], $0xffff  }
0x11f: {  	v25 =	vshll.u32 v25, $0x7;
	v58 =	vadd.s32 v34, v22;
	[tilespmem:v60+s16+$0x0] =	vst.idx.msk $0xffff, v47;
	v60 =	vor.u32 v40, v63  }
0x120: {  	v62 =	vadd.s32 v29, v36;
	v42 =	vor.u32 v21, v58;
	v48 =	vadd.s32 v25, v39  }
0x121: {  	v39 =	vor.u32 v28, v36;
	v44 =	vld.idx.msk [tilespmem:v61+s3+$0x0], $0xffff;
	v61 =	vadd.s32 v37, v19;
	[tilespmem:v57+s16+$0x0] =	vst.idx.msk $0xffff, v46  }
0x122: {  	v63 =	vadd.s32 v33, v17;
	v54 =	vor.u32 v20, v61;
	v50 =	vld.idx.msk [tilespmem:v50+s3+$0x0], $0xffff;
	[tilespmem:v51+s16+$0x0] =	vst.idx.msk $0xffff, v43  }
0x123: {  	v43 =	vld.idx.msk [tilespmem:v49+s3+$0x0], $0xffff;
	v51 =	vadd.s32 v1, v39;
	[tilespmem:v53+s16+$0x0] =	vst.idx.msk $0xffff, v45;
	v45 =	vor.u32 v16, v63  }
0x124: {  	v55 =	vadd.s32 v13, v41;
	v46 =	vor.u32 v28, v62;
	v53 =	vld.idx.msk [tilespmem:v60+s3+$0x0], $0xffff  }
0x125: {  	s31 =	simm.s32 $0x5;
	v40 =	vor.u32 v40, v48;
	v57 =	vadd.s32 v5, v23;
	v60 =	vadd.s32 v35, v22;
	v42 =	vld.idx.msk [tilespmem:v42+s3+$0x0], $0xffff  }
0x126: {  	v41 =	vadd.s32 v14, v41;
	v58 =	vadd.s32 s31, v0;
	[tilespmem:v52+s16+$0x0] =	vst.idx.msk $0xffff, v44;
	v60 =	vor.u32 v21, v60  }
0x127: {  	vm15 =	vgt.u32 v58, $0x63;
	v59 =	vadd.s32 s31, v2;
	v49 =	vadd.s32 v8, v18;
	v47 =	vld.idx.msk [tilespmem:v54+s3+$0x0], $0xffff;
	[tilespmem:v56+s16+$0x0] =	vst.idx.msk $0xffff, v50  }
0x128: {  	v61 =	vadd.s32 v38, v19;
	v62 =	vadd.s32 v27, v17;
	[tilespmem:v51+s16+$0x0] =	vst.idx.msk $0xffff, v43;
	v45 =	vld.idx.msk [tilespmem:v45+s3+$0x0], $0xffff  }
0x129: {  	v48 =	vor.u32 v20, v61;
	v63 =	vadd.s32 v32, v36;
	v51 =	vld.idx.msk [tilespmem:v46+s3+$0x0], $0xffff;
	[tilespmem:v55+s16+$0x0] =	vst.idx.msk $0xffff, v53  }
0x12a: {  	v52 =	vadd.s32 v3, v39;
	v46 =	vadd.s32 v11, v15;
	[tilespmem:v57+s16+$0x0] =	vst.idx.msk $0xffff, v42;
	v40 =	vld.idx.msk [tilespmem:v40+s3+$0x0], $0xffff  }
0x12b: {  	s22 =	simm.s32 $0x6;
	v44 =	vor.u32 v16, v62;
	v42 =	vsel vm15, v59, v58;
	v53 =	vor.u32 v28, v63;
	v50 =	vld.idx.msk [tilespmem:v60+s3+$0x0], $0xffff  }
.LBB2_5:
0x12c: {  	v43 =	vadd.s32 v6, v23;
	v54 =	vadd.s32 v31, v22;
	[tilespmem:v49+s16+$0x0] =	vst.idx.msk $0xffff, v47;
	v49 =	vmov v28  }
0x12d: {  	p0 =	sne.s32 s22, $0x63;
	v28 =	vand.u32 $0x7F, v42;
	v47 =	vmovc v36;
	v55 =	vmovc v15;
	v15 =	vmov v18;
	v18 =	vmov v23  }
0x12e: {  	v23 =	vadd.s32 v30, v19;
	v56 =	vadd.s32 v24, v17;
	v54 =	vor.u32 v21, v54;
	v48 =	vld.idx.msk [tilespmem:v48+s3+$0x0], $0xffff  }
0x12f: {  	v36 =	vand.u32 $0xFFFFFF80, v42;
	v42 =	vadd.s32 v34, v47;
	v57 =	vadd.s32 v9, v15;
	[tilespmem:v46+s16+$0x0] =	vst.idx.msk $0xffff, v45  }
0x130: {  	v45 =	vadd.s32 v26, v36;
	v46 =	vor.u32 v20, v23;
	[tilespmem:v52+s16+$0x0] =	vst.idx.msk $0xffff, v51;
	v44 =	vld.idx.msk [tilespmem:v44+s3+$0x0], $0xffff  }
0x131: {  	v45 =	vor.u32 v28, v45;
	v52 =	vadd.s32 v12, v55;
	v51 =	vld.idx.msk [tilespmem:v53+s3+$0x0], $0xffff;
	[tilespmem:v41+s16+$0x0] =	vst.idx.msk $0xffff, v40  }
0x132: {  	v23 =	vmov v39;
	v40 =	vadd.s32 v4, v39;
	v41 =	vor.u32 v16, v56;
	[tilespmem:v43+s16+$0x0] =	vst.idx.msk $0xffff, v50  }
0x133: {  	v42 =	vor.u32 v49, v42;
	v50 =	vadd.s32 v25, v17;
	v17 =	vmovc v19;
	v19 =	vmov v22;
	v43 =	vld.idx.msk [tilespmem:v54+s3+$0x0], $0xffff  }
0x134: {  	v53 =	vadd.s32 v7, v18;
	v22 =	vmov v47;
	v39 =	vadd.s32 v37, v19;
	[tilespmem:v57+s16+$0x0] =	vst.idx.msk $0xffff, v48  }
0x135: {  	v47 =	vadd.s32 v29, v36;
	v54 =	vadd.s32 v33, v17;
	v48 =	vor.u32 v21, v39;
	v46 =	vld.idx.msk [tilespmem:v46+s3+$0x0], $0xffff  }
0x136: {  	v56 =	vadd.s32 v10, v15;
	v39 =	vor.u32 v28, v36;
	v45 =	vld.idx.msk [tilespmem:v45+s3+$0x0], $0xffff;
	[tilespmem:v52+s16+$0x0] =	vst.idx.msk $0xffff, v44  }
0x137: {  	v44 =	vadd.s32 v1, v39;
	[tilespmem:v40+s16+$0x0] =	vst.idx.msk $0xffff, v51;
	v40 =	vor.u32 v20, v54;
	v41 =	vld.idx.msk [tilespmem:v41+s3+$0x0], $0xffff  }
0x138: {  	v52 =	vadd.s32 v13, v55;
	v51 =	vor.u32 v28, v47;
	v47 =	vadd.s32 v35, v22;
	v42 =	vld.idx.msk [tilespmem:v42+s3+$0x0], $0xffff  }
0x139: {  	v54 =	vadd.s32 v5, v23;
	[tilespmem:v53+s16+$0x0] =	vst.idx.msk $0xffff, v43;
	v43 =	vor.u32 v16, v50;
	v16 =	vmov v20  }
0x13a: {  	v57 =	vor.u32 v49, v47;
	v50 =	vadd.s32 s22, v0;
	v53 =	vadd.s32 s22, v2;
	v20 =	vmovc v21;
	v21 =	vmovc v49;
	v47 =	vld.idx.msk [tilespmem:v48+s3+$0x0], $0xffff  }
.Ltmp1:
0x13b: {  	v49 =	vadd.s32 v8, v18;
	vm0 =	vgt.u32 v50, $0x63;
	v48 =	vadd.s32 v38, v19;
	[tilespmem:v56+s16+$0x0] =	vst.idx.msk $0xffff, v46;
	(pc) =	sbr.rel @p0 .LBB2_5-.Ltmp1, $4  }
0x13c: {  	v48 =	vor.u32 v20, v48;
	[tilespmem:v44+s16+$0x0] =	vst.idx.msk $0xffff, v45;
	v45 =	vld.idx.msk [tilespmem:v40+s3+$0x0], $0xffff;
	v40 =	vadd.s32 v27, v17  }
0x13d: {  	v56 =	vadd.s32 v32, v36;
	v46 =	vadd.s32 v11, v15;
	v51 =	vld.idx.msk [tilespmem:v51+s3+$0x0], $0xffff;
	[tilespmem:v52+s16+$0x0] =	vst.idx.msk $0xffff, v41  }
0x13e: {  	v52 =	vadd.s32 v3, v39;
	v44 =	vor.u32 v16, v40;
	[tilespmem:v54+s16+$0x0] =	vst.idx.msk $0xffff, v42;
	v40 =	vld.idx.msk [tilespmem:v43+s3+$0x0], $0xffff  }
0x13f: {  	s22 =	sadd.s32 $0x1, s22;
	v41 =	vadd.s32 v14, v55;
	v42 =	vsel vm0, v53, v50;
	v53 =	vor.u32 v28, v56;
	v50 =	vld.idx.msk [tilespmem:v57+s3+$0x0], $0xffff  }
0x140: {  	v43 =	vand.u32 $0xFFFFFF80, v42  }
0x141: {  	v42 =	vand.u32 $0x7F, v42;
	v26 =	vadd.s32 v26, v43  }
0x142: {  	v54 =	vor.u32 v42, v26;
	_ =	sdelay $0x3  }
0x143: {  	v26 =	vor.u32 v42, v43  }
0x144: {  	v29 =	vadd.s32 v29, v43;
	v55 =	vadd.s32 v1, v26;
	v54 =	vld.idx.msk [tilespmem:v54+s3+$0x0], $0xffff  }
0x145: {  	v29 =	vor.u32 v42, v29;
	_ =	sdelay $0x3  }
0x146: {  	[tilespmem:v55+s16+$0x0] =	vst.idx.msk $0xffff, v54  }
0x147: {  	v32 =	vadd.s32 v32, v43;
	v63 =	vadd.s32 v3, v26;
	v29 =	vld.idx.msk [tilespmem:v29+s3+$0x0], $0xffff  }
0x148: {  	v32 =	vor.u32 v42, v32;
	_ =	sdelay $0x2  }
0x149: {  	[tilespmem:v52+s16+$0x0] =	vst.idx.msk $0xffff, v51  }
0x14a: {  	v56 =	vadd.s32 v34, v36;
	v57 =	vadd.s32 v4, v39;
	v52 =	vld.idx.msk [tilespmem:v53+s3+$0x0], $0xffff;
	[tilespmem:v63+s16+$0x0] =	vst.idx.msk $0xffff, v29  }
0x14b: {  	v58 =	vor.u32 v28, v56;
	v59 =	vadd.s32 v34, v43;
	v60 =	vadd.s32 v4, v26;
	v32 =	vld.idx.msk [tilespmem:v32+s3+$0x0], $0xffff  }
0x14c: {  	v34 =	vor.u32 v42, v59;
	_ =	sdelay $0x2  }
0x14d: {  	[tilespmem:v57+s16+$0x0] =	vst.idx.msk $0xffff, v52  }
0x14e: {  	v61 =	vadd.s32 v35, v36;
	v62 =	vadd.s32 v5, v39;
	v29 =	vld.idx.msk [tilespmem:v58+s3+$0x0], $0xffff;
	[tilespmem:v60+s16+$0x0] =	vst.idx.msk $0xffff, v32  }
0x14f: {  	v56 =	vadd.s32 v35, v43;
	v57 =	vadd.s32 v5, v26;
	v63 =	vor.u32 v28, v61;
	v34 =	vld.idx.msk [tilespmem:v34+s3+$0x0], $0xffff  }
0x150: {  	v35 =	vor.u32 v42, v56;
	_ =	sdelay $0x1  }
0x151: {  	v59 =	vadd.s32 v6, v23  }
0x152: {  	v58 =	vadd.s32 v31, v22;
	v61 =	vadd.s32 v31, v36;
	[tilespmem:v62+s16+$0x0] =	vst.idx.msk $0xffff, v29  }
0x153: {  	v52 =	vor.u32 v21, v58;
	v29 =	vld.idx.msk [tilespmem:v63+s3+$0x0], $0xffff;
	v60 =	vadd.s32 v6, v39;
	[tilespmem:v57+s16+$0x0] =	vst.idx.msk $0xffff, v34  }
0x154: {  	v55 =	vadd.s32 v31, v43;
	v62 =	vor.u32 v28, v61;
	v63 =	vadd.s32 v6, v26;
	v35 =	vld.idx.msk [tilespmem:v35+s3+$0x0], $0xffff  }
0x155: {  	v31 =	vor.u32 v42, v55;
	_ =	sdelay $0x1  }
0x156: {  	v56 =	vadd.s32 v37, v22;
	[tilespmem:v59+s16+$0x0] =	vst.idx.msk $0xffff, v50  }
0x157: {  	v50 =	vor.u32 v21, v56;
	v52 =	vld.idx.msk [tilespmem:v52+s3+$0x0], $0xffff;
	[tilespmem:v60+s16+$0x0] =	vst.idx.msk $0xffff, v29;
	v57 =	vadd.s32 v7, v23  }
0x158: {  	v59 =	vadd.s32 v37, v36;
	v58 =	vadd.s32 v7, v39;
	v29 =	vld.idx.msk [tilespmem:v62+s3+$0x0], $0xffff;
	[tilespmem:v63+s16+$0x0] =	vst.idx.msk $0xffff, v35  }
0x159: {  	v61 =	vadd.s32 v37, v43;
	v60 =	vadd.s32 v7, v26;
	v34 =	vor.u32 v28, v59;
	v31 =	vld.idx.msk [tilespmem:v31+s3+$0x0], $0xffff  }
0x15a: {  	v37 =	vor.u32 v42, v61;
	_ =	sdelay $0x1  }
0x15b: {  	v54 =	vadd.s32 v8, v39;
	[tilespmem:v57+s16+$0x0] =	vst.idx.msk $0xffff, v52  }
0x15c: {  	v62 =	vadd.s32 v38, v22;
	[tilespmem:v58+s16+$0x0] =	vst.idx.msk $0xffff, v29;
	v50 =	vld.idx.msk [tilespmem:v50+s3+$0x0], $0xffff;
	v63 =	vadd.s32 v8, v23  }
0x15d: {  	v55 =	vadd.s32 v38, v36;
	v51 =	vor.u32 v21, v62;
	v29 =	vld.idx.msk [tilespmem:v34+s3+$0x0], $0xffff;
	[tilespmem:v60+s16+$0x0] =	vst.idx.msk $0xffff, v31  }
0x15e: {  	v56 =	vor.u32 v28, v55;
	v59 =	vadd.s32 v38, v43;
	v58 =	vadd.s32 v8, v26;
	v57 =	vld.idx.msk [tilespmem:v37+s3+$0x0], $0xffff  }
0x15f: {  	[tilespmem:v49+s16+$0x0] =	vst.idx.msk $0xffff, v47;
	v37 =	vor.u32 v42, v59  }
0x160: {  	v48 =	vld.idx.msk [tilespmem:v48+s3+$0x0], $0xffff;
	v55 =	vadd.s32 v9, v39;
	v61 =	vadd.s32 v9, v18  }
0x161: {  	v62 =	vadd.s32 v30, v22;
	[tilespmem:v63+s16+$0x0] =	vst.idx.msk $0xffff, v50;
	v60 =	vadd.s32 v30, v19  }
0x162: {  	v63 =	vadd.s32 v9, v23;
	[tilespmem:v54+s16+$0x0] =	vst.idx.msk $0xffff, v29;
	v50 =	vld.idx.msk [tilespmem:v51+s3+$0x0], $0xffff;
	v38 =	vor.u32 v20, v60  }
0x163: {  	v49 =	vor.u32 v21, v62;
	v54 =	vadd.s32 v30, v36;
	v29 =	vld.idx.msk [tilespmem:v56+s3+$0x0], $0xffff;
	[tilespmem:v58+s16+$0x0] =	vst.idx.msk $0xffff, v57  }
0x164: {  	v31 =	vor.u32 v28, v54;
	v56 =	vadd.s32 v30, v43;
	v57 =	vadd.s32 v9, v26;
	v34 =	vld.idx.msk [tilespmem:v37+s3+$0x0], $0xffff  }
0x165: {  	[tilespmem:v61+s16+$0x0] =	vst.idx.msk $0xffff, v48;
	v61 =	vadd.s32 v33, v22;
	v30 =	vor.u32 v42, v56  }
0x166: {  	[tilespmem:v46+s16+$0x0] =	vst.idx.msk $0xffff, v45;
	v53 =	vadd.s32 v10, v39;
	v47 =	vor.u32 v21, v61  }
0x167: {  	v59 =	vadd.s32 v33, v19;
	v60 =	vadd.s32 v10, v18;
	[tilespmem:v63+s16+$0x0] =	vst.idx.msk $0xffff, v50;
	v38 =	vld.idx.msk [tilespmem:v38+s3+$0x0], $0xffff  }
0x168: {  	v45 =	vor.u32 v20, v59;
	v63 =	vadd.s32 v10, v23;
	[tilespmem:v55+s16+$0x0] =	vst.idx.msk $0xffff, v29;
	v62 =	vld.idx.msk [tilespmem:v49+s3+$0x0], $0xffff  }
0x169: {  	v61 =	vadd.s32 v27, v36;
	v52 =	vadd.s32 v33, v36;
	v29 =	vld.idx.msk [tilespmem:v31+s3+$0x0], $0xffff;
	[tilespmem:v57+s16+$0x0] =	vst.idx.msk $0xffff, v34  }
0x16a: {  	v54 =	vadd.s32 v33, v43;
	v55 =	vadd.s32 v10, v26;
	v31 =	vor.u32 v28, v52;
	v30 =	vld.idx.msk [tilespmem:v30+s3+$0x0], $0xffff  }
0x16b: {  	v56 =	vadd.s32 v12, v15;
	v33 =	vor.u32 v42, v54;
	v58 =	vadd.s32 v24, v17  }
0x16c: {  	v44 =	vld.idx.msk [tilespmem:v44+s3+$0x0], $0xffff;
	v59 =	vadd.s32 v27, v22;
	v37 =	vor.u32 v16, v58;
	[tilespmem:v60+s16+$0x0] =	vst.idx.msk $0xffff, v38  }
0x16d: {  	v58 =	vadd.s32 v11, v18;
	[tilespmem:v63+s16+$0x0] =	vst.idx.msk $0xffff, v62;
	v57 =	vadd.s32 v27, v19;
	v45 =	vld.idx.msk [tilespmem:v45+s3+$0x0], $0xffff  }
0x16e: {  	v60 =	vadd.s32 v11, v23;
	[tilespmem:v53+s16+$0x0] =	vst.idx.msk $0xffff, v29;
	v47 =	vld.idx.msk [tilespmem:v47+s3+$0x0], $0xffff;
	v38 =	vor.u32 v20, v57  }
0x16f: {  	v48 =	vor.u32 v21, v59;
	v62 =	vadd.s32 v11, v39;
	v29 =	vld.idx.msk [tilespmem:v31+s3+$0x0], $0xffff;
	[tilespmem:v55+s16+$0x0] =	vst.idx.msk $0xffff, v30  }
0x170: {  	v51 =	vadd.s32 v27, v43;
	v52 =	vadd.s32 v11, v26;
	v63 =	vor.u32 v28, v61;
	v50 =	vld.idx.msk [tilespmem:v33+s3+$0x0], $0xffff  }
0x171: {  	v54 =	vadd.s32 v24, v19;
	[tilespmem:v56+s16+$0x0] =	vst.idx.msk $0xffff, v44;
	v27 =	vor.u32 v42, v51  }
0x172: {  	v59 =	vadd.s32 v24, v36;
	v56 =	vadd.s32 v24, v22;
	[tilespmem:v58+s16+$0x0] =	vst.idx.msk $0xffff, v45  }
0x173: {  	v44 =	vor.u32 v21, v56;
	[tilespmem:v60+s16+$0x0] =	vst.idx.msk $0xffff, v47;
	v55 =	vadd.s32 v12, v18;
	v38 =	vld.idx.msk [tilespmem:v38+s3+$0x0], $0xffff  }
0x174: {  	v34 =	vor.u32 v20, v54;
	v58 =	vadd.s32 v12, v23;
	[tilespmem:v62+s16+$0x0] =	vst.idx.msk $0xffff, v29;
	v57 =	vld.idx.msk [tilespmem:v48+s3+$0x0], $0xffff  }
0x175: {  	v56 =	vadd.s32 v13, v39;
	v60 =	vadd.s32 v12, v39;
	v30 =	vld.idx.msk [tilespmem:v63+s3+$0x0], $0xffff;
	[tilespmem:v52+s16+$0x0] =	vst.idx.msk $0xffff, v50  }
0x176: {  	v61 =	vadd.s32 v24, v43;
	v29 =	vor.u32 v28, v59;
	v62 =	vadd.s32 v12, v26;
	v27 =	vld.idx.msk [tilespmem:v27+s3+$0x0], $0xffff  }
0x177: {  	v53 =	vadd.s32 v25, v17;
	v51 =	vadd.s32 v13, v18;
	v48 =	vor.u32 v42, v61  }
0x178: {  	v49 =	vld.idx.msk [tilespmem:v37+s3+$0x0], $0xffff;
	v54 =	vadd.s32 v13, v23;
	v63 =	vadd.s32 v13, v15;
	[tilespmem:v55+s16+$0x0] =	vst.idx.msk $0xffff, v38  }
0x179: {  	v47 =	vor.u32 v16, v53;
	[tilespmem:v58+s16+$0x0] =	vst.idx.msk $0xffff, v57;
	v50 =	vadd.s32 v25, v19;
	v34 =	vld.idx.msk [tilespmem:v34+s3+$0x0], $0xffff  }
0x17a: {  	[tilespmem:v60+s16+$0x0] =	vst.idx.msk $0xffff, v30;
	v52 =	vadd.s32 v25, v22;
	v53 =	vld.idx.msk [tilespmem:v44+s3+$0x0], $0xffff;
	v19 =	vor.u32 v20, v50  }
0x17b: {  	v55 =	vadd.s32 v25, v36;
	v29 =	vld.idx.msk [tilespmem:v29+s3+$0x0], $0xffff;
	v20 =	vor.u32 v21, v52;
	[tilespmem:v62+s16+$0x0] =	vst.idx.msk $0xffff, v27  }
0x17c: {  	v57 =	vadd.s32 v25, v43;
	v58 =	vadd.s32 v13, v26;
	v21 =	vor.u32 v28, v55;
	v17 =	vld.idx.msk [tilespmem:v48+s3+$0x0], $0xffff  }
0x17d: {  	[tilespmem:v63+s16+$0x0] =	vst.idx.msk $0xffff, v49;
	v59 =	vor.u32 v42, v57  }
0x17e: {  	v15 =	vadd.s32 v14, v15;
	v16 =	vld.idx.msk [tilespmem:v47+s3+$0x0], $0xffff;
	[tilespmem:v51+s16+$0x0] =	vst.idx.msk $0xffff, v34  }
0x17f: {  	v60 =	vadd.s32 v14, v18;
	[tilespmem:v54+s16+$0x0] =	vst.idx.msk $0xffff, v53;
	v19 =	vld.idx.msk [tilespmem:v19+s3+$0x0], $0xffff  }
0x180: {  	v61 =	vadd.s32 v14, v23;
	[tilespmem:v56+s16+$0x0] =	vst.idx.msk $0xffff, v29;
	v20 =	vld.idx.msk [tilespmem:v20+s3+$0x0], $0xffff  }
0x181: {  	v21 =	vld.idx.msk [tilespmem:v21+s3+$0x0], $0xffff;
	v62 =	vadd.s32 v14, v39;
	[tilespmem:v58+s16+$0x0] =	vst.idx.msk $0xffff, v17  }
0x182: {  	s20 =	sadd.s32 $0x1, s20;
	[tilespmem:v41+s16+$0x0] =	vst.idx.msk $0xffff, v40;
	v63 =	vadd.s32 v14, v26;
	v17 =	vld.idx.msk [tilespmem:v59+s3+$0x0], $0xffff  }
0x183: {  	p0 =	sne.s32 s20, $0x40;
	[tilespmem:v15+s16+$0x0] =	vst.idx.msk $0xffff, v16  }
.Ltmp2:
0x184: {  	[tilespmem:v60+s16+$0x0] =	vst.idx.msk $0xffff, v19;
	(pc) =	sbr.rel @p0 .LBB2_2-.Ltmp2, $4  }
0x185: {  	s21 =	smul.u32 $0xC80, s21;
	[tilespmem:v61+s16+$0x0] =	vst.idx.msk $0xffff, v20  }
0x186: {  	[tilespmem:v62+s16+$0x0] =	vst.idx.msk $0xffff, v21  }
0x187: {  	s21 =	sadd.s32 s5, s21;
	[tilespmem:v63+s16+$0x0] =	vst.idx.msk $0xffff, v17  }
0x188: {  	[hbm4b:s21+s3] =	stream.linear.scatter [tilespmem:s16], [sflag:$0x2], $0x6400, $0x38;
	[tilespmem:$0xFE00] =	vst v63  }
0x189: {  	_ =	swait.ge [sflag:s17], $0x6400  }
0x18a: {  	[sflag:s17] =	ssyncset.done $0x0  }
0x18b: {  	s19 =	sadd.s32 $0x1, s19;
	[sflag:s17] =	ssyncadd.s32 $0xFFFF9C00  }
0x18c: {  	p0 =	sne.s32 s19, s9;
	_ =	swait.ge [sflag:s18], $0x6400  }
.Ltmp3:
0x18d: {  	[sflag:s18] =	ssyncset.done $0x0;
	(pc) =	sbr.rel @p0 .LBB2_1-.Ltmp3, $4  }
0x18e: {  	[sflag:s18] =	ssyncadd.s32 $0xFFFF9C00  }
0x18f: {  	_ =	swait.ge [sflag:s12], $0xC8  }
0x190: {  	[sflag:s12] =	ssyncset.done $0x0  }
0x191: {  	[sflag:s12] =	ssyncadd.s32 $0xFFFFFF38  }
0x192: {  	_ =	sfence.sel $0x180000  }
0x193: {  	[bflag:$0x0] =	sbarrier.arrive $0xFFFF  }
0x194: {  	p0 =	sne.s32 s2, $0x0;
	_ =	strace $0x90000047  }
0x195: {  	s0 =	sadd.s32 @!p0 $0x100000, s0;
	[bflag:$0x2] =	sbarrier.arrive $0xFFFF  }
0x196: {  	[sflag:s0] =	ssyncadd.tile.s32 @!p0 $0x1;
	_ =	shalt  }
.Lfunc_end2:
_tile_overlayer_lowered:
.L_overlay_start_2:
0x197: {  	(tag) =	ssettag $0x2  }
0x198: {  	s0 =	rddreg [dreg:$0x0];
	s2 =	stileid.u32  }
0x199: {  	s1 =	rddreg [dreg:$0x1];
	p0 =	sne.s32 s2, $0x0  }
0x19a: {  	s3 =	rddreg [dreg:$0x2];
	[bflag:$0x3] =	sbarrier.arrive $0xFFFF;
	s2 =	simm.s32 @!p0 $0x1C05  }
0x19b: {  	[timem:s3], [sflag:s2] =	dma.local @!p0 [hbm:s0], s1  }
0x19c: {  	s0 =	simm.s32 @!p0 $0x5  }
0x19d: {  	_ =	swait.ge @!p0 [sflag:s0], s1  }
0x19e: {  	s1 =	ssub.s32 @!p0 $0x0, s1;
	[sflag:s0] =	ssyncset.done @!p0 $0x0  }
0x19f: {  	[sflag:s0] =	ssyncadd.s32 @!p0 s1  }
0x1a0: {  	[bflag:$0x3] =	sbarrier.arrive $0xFFFF  }
0x1a1: {  	_ =	shalt  }

// kernel: sparse-core-data-format-call.cloned.1.call-start
scs
called_computation_lowered:
.L_overlay_start_0:
0x0: {  	s2 =	sld [smem:$0x3FD9]  }
0x1: {  	s3 =	sld [smem:$0x3FFE];
	_ =	sdelay $0x1  }
0x2: {  	s1 =	srdreg.scid  }
0x3: {  	s0 =	sand.u32 $0x1, s1  }
0x4: {  	s18 =	sshll.u32 s0, $0xA;
	s2 =	sadd.s32 s3, s2  }
0x5: {  	s2 =	sadd.s32 s2, s18  }
0x6: {  	[smem:$0x3FC4] =	sst s2  }
0x7: {  	_ = 	snop  }
0x8: {  	s2 =	sld [smem:$0x3FD0];
	(tm) =	ssettm $0x1  }
0x9: {  	s19 =	sld [smem:$0x3FFB];
	_ =	sdelay $0x3  }
0xa: {  	_ =	strace s19  }
0xb: {  	s3 =	sld [smem:$0x3FFC];
	_ =	sdelay $0x3  }
0xc: {  	_ =	strace s3  }
0xd: {  	s3 =	sld [smem:$0x3FFD];
	_ =	sdelay $0x3  }
0xe: {  	_ =	strace s3  }
0xf: {  	_ =	strace $0x8FFFFFFF  }
0x10: {  	s20 =	sld [smem:$0x3FDB];
	_ =	sdelay $0x1  }
0x11: {  	s4 =	simm.s32 $_scs_section_size  }
0x12: {  	s5 =	simm.s32 $_size__tile_overlayer_lowered;
	s6 =	simm.s32 $_tile_overlayer_lowered  }
0x13: {  	s23 =	simm.s32 $0x1BFF;
	s22 =	sshll.u32 s6, $0x1;
	s3 =	sadd.s32 s4, s20  }
0x14: {  	s7 =	simm.s32 $0x0;
	s21 =	sshll.u32 s5, $0x1;
	s5 =	sadd.s32 s22, s3  }
0x15: {  	[timem:s7], [sflag:s23] =	dma.local [hbm:s5], s21  }
0x16: {  	_ =	swait.ge [sflag:s23], s21  }
0x17: {  	s4 =	ssub.s32 $0x0, s21;
	[sflag:s23] =	ssyncset.done $0x0  }
0x18: {  	[sflag:s23] =	ssyncadd.s32 s4;
	_ =	sdelay $0x1  }
0x19: {  	s24 =	simm.s32 $0x1B8B  }
0x1a: {  	_ =	swait.ge [sflag:s24], $0x1  }
0x1b: {  	[sflag:s24] =	ssyncset.done $0x0  }
0x1c: {  	s26 =	simm.s32 $0x1B8E;
	s25 =	sld [smem:$0x3FFE];
	[sflag:s24] =	ssyncadd.s32 $0xFFFFFFFF  }
0x1d: {  	s27 =	simm.s32 $execute0_lowered;
	[smem:$0x3FD2] =	sst s26  }
0x1e: {  	s5 =	sshll.u32 s27, $0x1;
	_ =	strace $0x80000049;
	[dreg:$0x1] =	wrdreg $0xFFFFFFFF  }
0x1f: {  	s28 =	simm.s32 $_size_execute0_lowered;
	s3 =	sadd.s32 s3, s5;
	[dreg:$0x0] =	wrdreg $0x0  }
0x20: {  	s5 =	sshll.u32 s28, $0x1;
	[dreg:$0x2] =	wrdreg s3  }
0x21: {  	[dreg:$0x3] =	wrdreg s5  }
0x22: {  	[dreg:$0x4] =	wrdreg $0xC0  }
0x23: {  	_ =	task [dreg:s7], $0x5FFFF  }
0x24: {  	[dreg:$0x1] =	wrdreg $0xFFFFFFFF  }
0x25: {  	[dreg:$0x0] =	wrdreg $0x60  }
0x26: {  	[dreg:$0x2] =	wrdreg s25  }
0x27: {  	[dreg:$0x3] =	wrdreg s2  }
0x28: {  	[dreg:$0x4] =	wrdreg $0x9  }
0x29: {  	_ =	task.clear_ibuf [dreg:s7], $0x5FFFF;
	_ =	strace $0x90000049  }
0x2a: {  	s29 =	simm.s32 $0x9;
	_ =	strace $0x8000004B  }
0x2b: {  	_ =	swait.ge [sflag:s29], $0x1  }
0x2c: {  	[sflag:s29] =	ssyncadd.s32 $0xFFFFFFFF  }
0x2d: {  	_ =	strace $0x9000004B  }
0x2e: {  	_ =	sfence  }
0x2f: {  	s30 =	sld [smem:$0x0];
	_ =	sdelay $0x2  }
0x30: {  	s31 =	sshll.u32 s1, $0xD;
	s1 =	sshrl.u32 s1, $0x2  }
0x31: {  	s3 =	sand.u32 $0x4000, s31;
	s1 =	sadd.s32 s1, s30  }
0x32: {  	s0 =	sor.u32 s3, s0;
	s1 =	sshll.u32 s1, $0x11  }
0x33: {  	s0 =	sor.u32 s1, s0  }
0x34: {  	s0 =	sadd.s32 $0x8F2B, s0  }
0x35: {  	[sflag:s0] =	ssyncadd.remote.s32 $0x1  }
0x36: {  	_ =	sfence.sel $0xFFFF  }
0x37: {  	[dreg:$0x0] =	wrdreg $0xFFFFFFFF;
	(pc) =	sbr.abs _section_cstart, $3  }
0x38: {  	[dreg:$0x1] =	wrdreg $0xFFFFFFFF  }
0x39: {  	_ =	task.clear_ibuf [dreg:s7], $0x2FFFF;
	_ =	strace $0x9FFFFFFF  }
0x3a: {  	(tm) =	ssettm $0x7FFFFFFF  }
0x3b: {  	_ =	shalt  }
tec
execute0_lowered:
.L_overlay_start_1:
0x0: {  	(tag) =	ssettag $0x1  }
0x1: {  	s0 =	srdreg.scid  }
0x2: {  	s1 =	sshll.u32 s0, $0x4  }
0x3: {  	s6 =	rddreg [dreg:$0x0];
	s0 =	stileid.u32;
	s1 =	sand.u32 $0x10, s1  }
0x4: {  	s3 =	rddreg [dreg:$0x1];
	s1 =	sor.u32 s0, s1  }
0x5: {  	s5 =	simm.s32 $0x1;
	s31 =	simm.s32 $0x2;
	s2 =	sshll.u32 s1, $0x7  }
0x6: {  	s15 =	simm.s32 $0x0;
	s8 =	simm.s32 $0xC8000;
	s4 =	ssub.s32 $0x1000, s2  }
0x7: {  	s14 =	simm.s32 $0x0;
	s9 =	simm.s32 $0x0;
	s30 =	sand.u32 $0xF80, s4  }
0x8: {  	s10 =	simm.s32 $0x0;
	s11 =	simm.s32 $0x0;
	p0 =	sne.s32 s30, $0x0  }
.Ltmp0:
0x9: {  	s7 =	sshrl.u32 s4, $0xC;
	s5 =	simm.s32 @!p0 $0x0;
	(pc) =	sbr.rel .LBB1_1-.Ltmp0, $4  }
0xa: {  	s13 =	simm.s32 $0x0;
	s1 =	rddreg [dreg:$0x2];
	s5 =	sadd.s32 s5, s7  }
0xb: {  	_ =	strace $0x8000004A;
	s4 =	simm.s32 $0x1;
	s5 =	smul.u32 $0xC8, s5  }
0xc: {  	s6 =	sadd.s32 $0xC81400, s6;
	s12 =	smov.u32 s2;
	[sflag:s4] =	ssyncpa.u1 $0x0  }
0xd: {  	[sflag:s31] =	ssyncpa.u1 $0x0;
	p0 =	por $0x0, $0x0;
	s7 =	sor.u32 $0x1, s5  }
.LBB1_4:
0xe: {  	s20 =	sshra.s32 s20, $0x2;
	s27 =	sshll.u32 s9, $0xC  }
0xf: {  	s21 =	sand.u32 $0x78, s10;
	s22 =	sshll.u32 s10, $0x3;
	s24 =	sshll.u32 s9, $0x7  }
0x10: {  	p1 =	sgt.s32 s9, $0xC7;
	s30 =	sshra.s32 s9, $0x1F;
	s25 =	sshra.s32 s10, $0x1F  }
0x11: {  	s19 =	sadd.s32 s20, s19;
	s20 =	sand.u32 $0xFFFF8000, s27;
	s23 =	sand.u32 $0xFFFFFC00, s22  }
0x12: {  	v5 =	vld [tilespmem:s17+$0xFFFFFFD0];
	[tilespmem:s18+$0x2040 ss:$0x81] =	vst.msk $0xffff, v4;
	s22 =	sand.u32 $0xC00, s22;
	s28 =	sand.u32 $0x380, s24;
	s31 =	sand.u32 s30, s9  }
0x13: {  	v58 =	vld [tilespmem:s17+$0xFFFFFFE0];
	[tilespmem:s18+$0x2850 ss:$0x81] =	vst.msk $0xffff, v3;
	s24 =	smov.u32 s10;
	s25 =	sand.u32 s25, s10;
	s20 =	sadd.s32 s23, s20  }
0x14: {  	v59 =	vld [tilespmem:s17+$0xFFFFFFF0];
	[tilespmem:s18+$0x3060 ss:$0x81] =	vst.msk $0xffff, v2;
	s21 =	sor.u32 s21, s22;
	s22 =	smov.u32 s9;
	s20 =	sshrl.u32 s20, $0xC  }
0x15: {  	v60 =	vld [tilespmem:s17+$0x0];
	[tilespmem:s18+$0x0 ss:$0x81] =	vst.msk $0xffff, v1;
	s22 =	simm.s32 @!p1 $0xC7;
	p1 =	sgt.s32 s10, $0xF80;
	s29 =	smulhi.u32 $0x147AE15, s20  }
0x16: {  	v61 =	vld [tilespmem:s17+$0x10];
	[tilespmem:s19+$0x3870 ss:$0x81] =	vst.msk $0xffff, v0;
	s21 =	sor.u32 s28, s21;
	s18 =	ssub.s32 s22, s31;
	s24 =	simm.s32 @!p1 $0xF80  }
0x17: {  	v62 =	vld [tilespmem:s17+$0x20];
	[tilespmem:s19+$0x810 ss:$0x81] =	vst.msk $0xffff, v5;
	s22 =	ssub.s32 s24, s25;
	s26 =	ssub.s32 $0xC8, s18;
	s23 =	smul.u32 $0xC8, s29  }
0x18: {  	v63 =	vld [tilespmem:s17+$0xFFFFFFC0];
	[tilespmem:s19+$0x1020 ss:$0x81] =	vst.msk $0xffff, v58;
	s27 =	sadd.s32 $0xFFFFFF39, s18;
	s18 =	smul.u32 $0x64, s26;
	s28 =	sadd.s32 $0xFFFFF080, s22  }
0x19: {  	[tilespmem:s19+$0x1830 ss:$0x81] =	vst.msk $0xffff, v59;
	p1 =	sgt.s32 s27, $0x0;
	s17 =	ssub.s32 $0x1000, s22;
	p2 =	sgt.s32 s28, $0x7F  }
0x1a: {  	s30 =	sand.u32 $0x7, s10;
	[tilespmem:s19+$0x2040 ss:$0x81] =	vst.msk $0xffff, v60;
	s18 =	simm.s32 @p1 $0x0;
	s17 =	simm.s32 @p2 $0x0  }
0x1b: {  	[tilespmem:s19+$0x2850 ss:$0x81] =	vst.msk $0xffff, v61;
	s29 =	sshrl.u32 s21, $0x3;
	s20 =	ssub.s32 s20, s23;
	s17 =	smul.u32 s17, s18  }
0x1c: {  	[tilespmem:s19+$0x3060 ss:$0x81] =	vst.msk $0xffff, v62;
	s21 =	sshll.u32 s30, $0x12;
	s20 =	sshll.u32 s20, $0x9;
	s18 =	sadd.s32 s3, s29  }
0x1d: {  	[tilespmem:s19+$0x0 ss:$0x81] =	vst.msk $0xffff, v63;
	s31 =	sor.u32 $0x80, s21;
	s18 =	sadd.s32 s20, s18;
	s17 =	sand.u32 $0x3FFFFFFC, s17  }
0x1e: {  	[hbm4b:s18+s31] =	stream.strided.scatter [tilespmem:s16], [sflag:$0x2], s17, s8, s31, $0x20;
	[tilespmem:$0x10100] =	vst v63  }
.LBB1_5:
0x1f: {  	p1 =	slt.u32 s13, $0x2  }
0x20: {  	s17 =	smov.u32 s15;
	p2 =	sgt.s32 @!p1 s15, $0xC7;
	s16 =	sshra.s32 @!p1 s15, $0x1F  }
0x21: {  	p3 =	sgt.s32 @!p1 s14, $0xF80;
	s18 =	sshra.s32 @!p1 s14, $0x1F;
	p2 =	por !p2, p1  }
0x22: {  	s15 =	sand.u32 @!p1 s16, s15;
	p3 =	por !p3, p1;
	s16 =	smov.u32 s14  }
0x23: {  	s14 =	sand.u32 @!p1 s18, s14;
	s17 =	simm.s32 @p2 $0xC7;
	s16 =	simm.s32 @p3 $0xF80  }
0x24: {  	s18 =	smov.u32 s12;
	s15 =	ssub.s32 @!p1 s17, s15;
	s14 =	ssub.s32 @!p1 s16, s14  }
0x25: {  	s16 =	sadd.s32 @!p1 $0xFFFFFF39, s15;
	s15 =	ssub.s32 @!p1 $0xC8, s15;
	s17 =	sadd.s32 @!p1 $0xFFFFF080, s14  }
0x26: {  	p2 =	sgt.s32 @!p1 s16, $0x0;
	s15 =	smul.u32 @!p1 $0x64, s15;
	p3 =	sgt.s32 @!p1 s17, $0x7F  }
0x27: {  	s14 =	ssub.s32 @!p1 $0x1000, s14;
	p2 =	por !p2, p1;
	p3 =	por !p3, p1  }
0x28: {  	s16 =	sadd.s32 $0x1, s11;
	s15 =	simm.s32 @!p2 $0x0;
	s14 =	simm.s32 @!p3 $0x0  }
0x29: {  	p2 =	sgt.s32 s16, $0xC7;
	s14 =	smul.u32 @!p1 s14, s15;
	s15 =	sadd.s32 $0x1000, s12  }
0x2a: {  	s18 =	smov.u32 @p2 s15  }
0x2b: {  	s16 =	simm.s32 @p2 $0x0;
	p2 =	sgt.s32 s18, $0xFFF  }
0x2c: {  	s18 =	smov.u32 @p2 s2;
	p2 =	sne.s32 s13, s7  }
.Ltmp1:
0x2d: {  	p0 =	por !p0, !p0;
	s17 =	simm.s32 @!p1 $0x2;
	(pc) =	sbr.rel @!p2 .LBB1_6-.Ltmp1, $4  }
0x2e: {  	s15 =	smov.u32 s9;
	s9 =	smov.u32 s11;
	s14 =	sand.u32 @!p1 $0x3FFFFFFC, s14  }
0x2f: {  	s11 =	smov.u32 s16;
	_ =	swait.ge @!p1 [sflag:s17], s14;
	s19 =	ssub.s32 @!p1 $0x0, s14  }
0x30: {  	s14 =	smov.u32 s10;
	s13 =	sadd.s32 $0x1, s13;
	[sflag:s17] =	ssyncset.done @!p1 $0x0  }
0x31: {  	s10 =	smov.u32 s12;
	s12 =	smov.u32 s18;
	[sflag:s17] =	ssyncadd.s32 @!p1 s19  }
.LBB1_1:
0x32: {  	p1 =	sge.u32 s13, s5  }
0x33: {  	s16 =	sand.u32 @!p1 $0x1FFFFFF, s11  }
0x34: {  	s17 =	smulhi.u32 @!p1 $0x147AE15, s16;
	_ =	sdelay $0x1  }
0x35: {  	s17 =	smul.u32 @!p1 $0xC8, s17  }
0x36: {  	s18 =	sxor.u32 @!p1 $0xFFFFFFFF, s13;
	s19 =	smul.u32 @!p1 $0xC80, s12  }
0x37: {  	s31 =	sadd.s32 $0xFFFFFFFF, s13;
	s18 =	sshll.u32 @!p1 s18, $0xE;
	s16 =	ssub.s32 @!p1 s16, s17  }
0x38: {  	s17 =	sand.u32 @!p1 $0x4000, s18;
	s18 =	sadd.s32 @!p1 s6, s19;
	s16 =	sshll.u32 @!p1 s16, $0x4  }
0x39: {  	s19 =	simm.s32 @!p1 $0x6400;
	s16 =	sadd.s32 @!p1 s16, s18;
	s18 =	simm.s32 @!p1 $0x80  }
0x3a: {  	[tilespmem:s17], [sflag:$0x1] =	stream.strided.gather @!p1 [hbm4b:s16+s18], $0x4000, s19, s18, $0x38;
	[tilespmem:$0x10100] =	vst v63  }
0x3b: {  	p1 =	sge.u32 s31, s5  }
.Ltmp2:
0x3c: {  	_ = 	snop;
	(pc) =	sbr.rel @p1 .LBB1_5-.Ltmp2, $1  }
0x3d: {  	_ =	sdelay $0x3  }
0x3e: {  	s16 =	simm.s32 $0x1  }
0x3f: {  	_ =	swait.ge [sflag:s4], $0x4000;
	s16 =	simm.s32 @!p0 $0x0  }
0x40: {  	[sflag:s4] =	ssyncset.done $0x0;
	s17 =	sshll.u32 s16, $0xE  }
0x41: {  	[sflag:s4] =	ssyncadd.s32 $0xFFFFC000;
	s17 =	sor.u32 $0x40, s17  }
0x42: {  	s16 =	smul.u32 $0x10200, s16;
	v0 =	vld [tilespmem:s17+$0x30]  }
0x43: {  	v1 =	vld [tilespmem:s17+$0xFFFFFFD0]  }
0x44: {  	s16 =	sshrl.u32 s16, $0x2;
	v5 =	vld [tilespmem:s17+$0xFFFFFFE0]  }
0x45: {  	v6 =	vld [tilespmem:s17+$0xFFFFFFF0];
	s19 =	sor.u32 $0x8000, s16  }
0x46: {  	s31 =	sand.u32 $0x1, s13;
	v4 =	vld [tilespmem:s17+$0x0];
	s18 =	sadd.s32 $0x0, s19  }
0x47: {  	v3 =	vld [tilespmem:s17+$0x10];
	s16 =	smul.u32 $0x10200, s31;
	[tilespmem:s18+$0x3870 ss:$0x81] =	vst.msk $0xffff, v0  }
0x48: {  	v2 =	vld [tilespmem:s17+$0x20];
	[tilespmem:s18+$0x810 ss:$0x81] =	vst.msk $0xffff, v1  }
0x49: {  	s16 =	sshrl.u32 s16, $0x2;
	v1 =	vld [tilespmem:s17+$0xFFFFFFC0];
	[tilespmem:s18+$0x1020 ss:$0x81] =	vst.msk $0xffff, v5;
	s17 =	sadd.s32 $0x80, s17  }
0x4a: {  	s20 =	simm.s32 $0x4;
	s21 =	simm.s32 $0x8;
	s16 =	sor.u32 $0x8000, s16;
	[tilespmem:s18+$0x1830 ss:$0x81] =	vst.msk $0xffff, v6;
	v0 =	vld [tilespmem:s17+$0x30]  }
.LBB1_3:
0x4b: {  	p1 =	sne.s32 s21, $0x1FC;
	v5 =	vld [tilespmem:s17+$0xFFFFFFD0];
	[tilespmem:s18+$0x2040 ss:$0x81] =	vst.msk $0xffff, v4  }
0x4c: {  	v6 =	vld [tilespmem:s17+$0xFFFFFFE0];
	[tilespmem:s18+$0x2850 ss:$0x81] =	vst.msk $0xffff, v3  }
0x4d: {  	s22 =	sshra.s32 s20, $0x2;
	s20 =	smov.u32 s21;
	v7 =	vld [tilespmem:s17+$0xFFFFFFF0];
	[tilespmem:s18+$0x3060 ss:$0x81] =	vst.msk $0xffff, v2  }
.Ltmp3:
0x4e: {  	v4 =	vld [tilespmem:s17+$0x0];
	[tilespmem:s18+$0x0 ss:$0x81] =	vst.msk $0xffff, v1;
	s18 =	sadd.s32 s22, s19;
	(pc) =	sbr.rel @p1 .LBB1_3-.Ltmp3, $4  }
0x4f: {  	v3 =	vld [tilespmem:s17+$0x10];
	[tilespmem:s18+$0x3870 ss:$0x81] =	vst.msk $0xffff, v0  }
0x50: {  	[tilespmem:s18+$0x810 ss:$0x81] =	vst.msk $0xffff, v5;
	v2 =	vld [tilespmem:s17+$0x20]  }
0x51: {  	v1 =	vld [tilespmem:s17+$0xFFFFFFC0];
	[tilespmem:s18+$0x1020 ss:$0x81] =	vst.msk $0xffff, v6;
	s17 =	sadd.s32 $0x80, s17  }
0x52: {  	s21 =	sadd.s32 $0x4, s21;
	v0 =	vld [tilespmem:s17+$0x30];
	[tilespmem:s18+$0x1830 ss:$0x81] =	vst.msk $0xffff, v7  }
.Ltmp4:
0x53: {  	_ = 	snop;
	(pc) =	sbr.rel .LBB1_4-.Ltmp4, $1  }
0x54: {  	_ =	sdelay $0x3  }
.LBB1_6:
0x55: {  	_ =	sfence.sel $0x180000  }
0x56: {  	s2 =	simm.s32 $0x1;
	[bflag:$0x0] =	sbarrier.arrive $0xFFFF  }
0x57: {  	s31 =	simm.s32 $0x2;
	[sflag:s2] =	ssyncpa.u1 $0x1  }
0x58: {  	[sflag:s31] =	ssyncpa.u1 $0x1  }
0x59: {  	p0 =	sne.s32 s0, $0x0;
	_ =	strace $0x9000004A  }
0x5a: {  	s0 =	sadd.s32 @!p0 $0x100000, s1;
	[bflag:$0x2] =	sbarrier.arrive $0xFFFF  }
0x5b: {  	[sflag:s0] =	ssyncadd.tile.s32 @!p0 $0x1;
	_ =	shalt  }
.Lfunc_end1:
_tile_overlayer_lowered:
.L_overlay_start_2:
0x5c: {  	(tag) =	ssettag $0x2  }
0x5d: {  	s0 =	rddreg [dreg:$0x0];
	s2 =	stileid.u32  }
0x5e: {  	s1 =	rddreg [dreg:$0x1];
	p0 =	sne.s32 s2, $0x0  }
0x5f: {  	s3 =	rddreg [dreg:$0x2];
	[bflag:$0x3] =	sbarrier.arrive $0xFFFF;
	s2 =	simm.s32 @!p0 $0x1C01  }
0x60: {  	[timem:s3], [sflag:s2] =	dma.local @!p0 [hbm:s0], s1  }
0x61: {  	s0 =	simm.s32 @!p0 $0x1  }
0x62: {  	_ =	swait.ge @!p0 [sflag:s0], s1  }
0x63: {  	s1 =	ssub.s32 @!p0 $0x0, s1;
	[sflag:s0] =	ssyncset.done @!p0 $0x0  }
0x64: {  	[sflag:s0] =	ssyncadd.s32 @!p0 s1  }
0x65: {  	[bflag:$0x3] =	sbarrier.arrive $0xFFFF  }
0x66: {  	_ =	shalt  }

</sc_bundles>
